<compile_context>
chip_gen: v7x
topology: tpu7x:2x2x1
jax: 0.10.2.dev20260603
libtpu: 0.0.44.dev20260713+nightly
codegen_flags: <defaults>
</compile_context>

<pallas_src>
import jax
import jax.numpy as jnp
from jax import lax
from jax.experimental import pallas as pl
from jax.experimental.pallas import tpu as pltpu
from jax.experimental.pallas import tpu_sc as plsc

B = 4096
N = 50
NP = 56
D = 64
D2 = 2 * D
NC = 2
NS = 16
NW = NC * NS

BW = B // NW
CHUNK = 128
HOP_ROWS = B * NP
PER_W = HOP_ROWS // NW
N_CHUNKS = PER_W // CHUNK


def _hop_loop(combo, idx_hbm, out_hbm, wid, idx_v, rows_a, rows_b, sem, wsa, wsb):
    pltpu.sync_copy(idx_hbm.at[wid], idx_v)
    base = wid * PER_W

    def pair(c2, carry):
        for par, (buf, ws) in enumerate(((rows_a, wsa), (rows_b, wsb))):
            c = c2 * 2 + par

            @pl.when(c2 > 0)
            def _():
                pltpu.make_async_copy(
                    out_hbm.at[pl.ds(0, CHUNK)], buf, ws).wait()

            pltpu.async_copy(combo.at[idx_v.at[c]], buf, sem).wait()
            pltpu.async_copy(buf, out_hbm.at[pl.ds(base + c * CHUNK, CHUNK)], ws)
        return carry

    lax.fori_loop(0, N_CHUNKS // 2, pair, 0)
    pltpu.make_async_copy(out_hbm.at[pl.ds(0, CHUNK)], rows_a, wsa).wait()
    pltpu.make_async_copy(out_hbm.at[pl.ds(0, CHUNK)], rows_b, wsb).wait()


def _sc_hop_body(combo, idx, g, idx_v, rows_a, rows_b, sem, wsa, wsb):
    wid = lax.axis_index("s") * NC + lax.axis_index("c")
    _hop_loop(combo, idx, g, wid, idx_v, rows_a, rows_b, sem, wsa, wsb)


def _sc_hop_tgt_body(combo, idx, tgt, g, gt, idx_v, tidx_v, rows_a, rows_b,
                     sem, wsa, wsb):
    wid = lax.axis_index("s") * NC + lax.axis_index("c")
    _hop_loop(combo, idx, g, wid, idx_v, rows_a, rows_b, sem, wsa, wsb)
    pltpu.sync_copy(tgt.at[pl.ds(wid * BW, BW)], tidx_v)
    pltpu.async_copy(combo.at[tidx_v], rows_a.at[pl.ds(0, BW)], sem).wait()
    pltpu.async_copy(rows_a.at[pl.ds(0, BW)], gt.at[pl.ds(wid * BW, BW)],
                     wsa).wait()


_MESH = dict(core_axis_name="c", subcore_axis_name="s")
_CP = pltpu.CompilerParams(use_tc_tiling_on_sc=True)


def _make_sc_hop():
    return pl.kernel(
        _sc_hop_body,
        out_type=jax.ShapeDtypeStruct((HOP_ROWS, D2), jnp.float32),
        mesh=plsc.VectorSubcoreMesh(**_MESH),
        scratch_types=[
            pltpu.VMEM((N_CHUNKS, CHUNK), jnp.int32),
            pltpu.VMEM((CHUNK, D2), jnp.float32),
            pltpu.VMEM((CHUNK, D2), jnp.float32),
            pltpu.SemaphoreType.DMA,
            pltpu.SemaphoreType.DMA,
            pltpu.SemaphoreType.DMA,
        ],
        compiler_params=_CP,
    )


def _make_sc_hop_tgt():
    return pl.kernel(
        _sc_hop_tgt_body,
        out_type=(
            jax.ShapeDtypeStruct((HOP_ROWS, D2), jnp.float32),
            jax.ShapeDtypeStruct((B, D2), jnp.float32),
        ),
        mesh=plsc.VectorSubcoreMesh(**_MESH),
        scratch_types=[
            pltpu.VMEM((N_CHUNKS, CHUNK), jnp.int32),
            pltpu.VMEM((BW,), jnp.int32),
            pltpu.VMEM((CHUNK, D2), jnp.float32),
            pltpu.VMEM((CHUNK, D2), jnp.float32),
            pltpu.SemaphoreType.DMA,
            pltpu.SemaphoreType.DMA,
            pltpu.SemaphoreType.DMA,
        ],
        compiler_params=_CP,
    )


BB = 128


def _gat_block(embf, aw_h, av):
    t = jnp.tanh(jnp.dot(embf, aw_h, preferred_element_type=jnp.float32))
    s = jnp.dot(t, av, preferred_element_type=jnp.float32)
    s3 = s.reshape(BB, NP, 1)
    nidx = lax.broadcasted_iota(jnp.int32, (BB, NP, 1), 1)
    s3 = jnp.where(nidx < N, s3, -1e30)
    m = jnp.max(s3, axis=1, keepdims=True)
    e = jnp.exp(s3 - m)
    alpha = e / jnp.sum(e, axis=1, keepdims=True)
    w = embf * alpha.reshape(BB * NP, 1)
    return jnp.sum(w.reshape(BB, NP, D2), axis=1)


def _tc_hop1_body(g_ref, aw_ref, av_ref, rw_ref, p_ref):
    agg = _gat_block(g_ref[...], aw_ref[...], av_ref[...])
    p_ref[...] = jnp.dot(agg, rw_ref[...], preferred_element_type=jnp.float32)


def _tc_hop2_body(g_ref, gt_ref, p1_ref, aw_ref, av_ref, rw_ref, rwt_ref, p_ref):
    agg = _gat_block(g_ref[...], aw_ref[...], av_ref[...])
    p_ref[...] = (jnp.dot(agg, rw_ref[...], preferred_element_type=jnp.float32)
                  + jnp.dot(gt_ref[...], rwt_ref[...],
                            preferred_element_type=jnp.float32)
                  + p1_ref[...])


def _tc_hop3_body(g_ref, p2_ref, aw_ref, av_ref, rw_ref, out_ref):
    agg = _gat_block(g_ref[...], aw_ref[...], av_ref[...])
    acc = (jnp.dot(agg, rw_ref[...], preferred_element_type=jnp.float32)
           + p2_ref[...])
    out_ref[...] = jnp.tanh(acc)


_HOP_SPEC = pl.BlockSpec((BB * NP, D2), lambda i: (i, 0))
_ROW128_SPEC = pl.BlockSpec((BB, D2), lambda i: (i, 0))
_ROW_SPEC = pl.BlockSpec((BB, D), lambda i: (i, 0))
_AW_SPEC = pl.BlockSpec((D2, D), lambda i: (0, 0))
_AV_SPEC = pl.BlockSpec((D, 1), lambda i: (0, 0))
_OUT = jax.ShapeDtypeStruct((B, D), jnp.float32)


def _tc_hop1(g, aw_h, av, rw_h):
    return pl.pallas_call(
        _tc_hop1_body, grid=(B // BB,),
        in_specs=[_HOP_SPEC, _AW_SPEC, _AV_SPEC, _AW_SPEC],
        out_specs=_ROW_SPEC, out_shape=_OUT,
    )(g, aw_h, av, rw_h)


def _tc_hop2(g, gt, p1, aw_h, av, rw_h, rw_t):
    return pl.pallas_call(
        _tc_hop2_body, grid=(B // BB,),
        in_specs=[_HOP_SPEC, _ROW128_SPEC, _ROW_SPEC, _AW_SPEC, _AV_SPEC,
                  _AW_SPEC, _AW_SPEC],
        out_specs=_ROW_SPEC, out_shape=_OUT,
    )(g, gt, p1, aw_h, av, rw_h, rw_t)


def _tc_hop3(g, p2, aw_h, av, rw_h):
    return pl.pallas_call(
        _tc_hop3_body, grid=(B // BB,),
        in_specs=[_HOP_SPEC, _ROW_SPEC, _AW_SPEC, _AV_SPEC, _AW_SPEC],
        out_specs=_ROW_SPEC, out_shape=_OUT,
    )(g, p2, aw_h, av, rw_h)


def kernel(target_ids, support_1st, support_2nd, support_3rd,
           user_emb, item_emb, att_w, att_v, refine_w):
    combo = jnp.concatenate([item_emb.T, user_emb.T], axis=0).T

    def pad_idx(s):
        return jnp.concatenate([s, s[:, :NP - N]], axis=1).reshape(
            NW, N_CHUNKS, CHUNK)

    i1idx = pad_idx(support_1st)
    uidx = pad_idx(support_2nd)
    i3idx = pad_idx(support_3rd)

    sc_hop = _make_sc_hop()
    g1 = sc_hop(combo, i1idx)
    g2, gt = _make_sc_hop_tgt()(combo, uidx, target_ids)
    g3 = sc_hop(combo, i3idx)

    z = jnp.zeros((D, D), jnp.float32)
    awi = jnp.concatenate([att_w, z], axis=0)
    awu = jnp.concatenate([z, att_w], axis=0)
    av = att_v.reshape(D, 1)
    rw1 = jnp.concatenate([refine_w[0:D], z], axis=0)
    rw2 = jnp.concatenate([z, refine_w[D:2 * D]], axis=0)
    rw3 = jnp.concatenate([refine_w[2 * D:3 * D], z], axis=0)
    rwt = jnp.concatenate([z, refine_w[3 * D:4 * D]], axis=0)

    p1 = _tc_hop1(g1, awi, av, rw1)
    p2 = _tc_hop2(g2, gt, p1, awu, av, rw2, rwt)
    return _tc_hop3(g3, p2, awi, av, rw3)

# --- scband reference (transcript-rebuilt; emitter-appended) ---
"""Pipeline reference for scband-general-gnn-72112500900430 (READ-ONLY COPY).

The authoritative reference and input builder live on the scoring server;
editing this copy changes nothing except your own understanding.
"""

import jax, jax.numpy as jnp
import numpy as np

B, N1, N2, N3, D = 4096, 50, 50, 50, 64
U, I = 1000000, 1000000


def setup_inputs(seed: int = 0) -> dict:
    key = jax.random.key(seed)
    ks = jax.random.split(key, 9)
    target_ids = jax.random.randint(ks[0], (B,), 0, U)
    support_1st = jax.random.randint(ks[1], (B, N1), 0, I)
    support_2nd = jax.random.randint(ks[2], (B, N2), 0, U)
    support_3rd = jax.random.randint(ks[3], (B, N3), 0, I)
    user_emb = jax.random.normal(ks[4], (U + 1, D), dtype=jnp.float32) * 0.1
    item_emb = jax.random.normal(ks[5], (I + 1, D), dtype=jnp.float32) * 0.1
    # padding row zeroed, matching torch __init__
    user_emb = user_emb.at[-1].set(0.0)
    item_emb = item_emb.at[-1].set(0.0)
    att_w = jax.random.normal(ks[6], (D, D), dtype=jnp.float32) * np.sqrt(2.0 / D)
    att_v = jax.random.normal(ks[7], (D,), dtype=jnp.float32) * np.sqrt(2.0 / D)
    refine_w = jax.random.normal(ks[8], (4 * D, D), dtype=jnp.float32) * np.sqrt(2.0 / (4 * D))
    return {
        "target_ids": target_ids,
        "support_1st": support_1st,
        "support_2nd": support_2nd,
        "support_3rd": support_3rd,
        "user_emb": user_emb,
        "item_emb": item_emb,
        "att_w": att_w,
        "att_v": att_v,
        "refine_w": refine_w,
    }


def _gat_aggregate(emb, att_w, att_v):
    # emb: [B, N, D] -> attention-weighted neighbor aggregation -> [B, D]
    scores = jnp.tanh(emb @ att_w) @ att_v          # [B, N]
    alpha = jax.nn.softmax(scores, axis=1)          # [B, N]
    return jnp.sum(alpha[..., None] * emb, axis=1)  # [B, D]


def reference(target_ids, support_1st, support_2nd, support_3rd,
              user_emb, item_emb, att_w, att_v, refine_w):
    # task='user', aggregation='GAT'
    first = jnp.take(item_emb, support_1st, axis=0)   # [B, N1, D] gather
    agg1 = _gat_aggregate(first, att_w, att_v)
    second = jnp.take(user_emb, support_2nd, axis=0)  # [B, N2, D] gather
    agg2 = _gat_aggregate(second, att_w, att_v)
    third = jnp.take(item_emb, support_3rd, axis=0)   # [B, N3, D] gather
    agg3 = _gat_aggregate(third, att_w, att_v)
    combined = jnp.concatenate([agg1, agg2, agg3], axis=1)  # [B, 3D]
    target = jnp.take(user_emb, target_ids, axis=0)         # [B, D]
    refined = jnp.tanh(jnp.concatenate([combined, target], axis=1) @ refine_w)  # [B, D]
    return refined

if __name__ == "__main__":
    import jax
    _d = setup_inputs()
    print(jax.jit(kernel)(*tuple(_d.values())))

</pallas_src>

<mosaic_0001>
#map = affine_map<(d0, d1) -> (0, 0)>
#map1 = affine_map<(d0, d1) -> (0, 0, 0)>
#map2 = affine_map<(d0, d1) -> (0)>
module attributes {stable_mosaic.version = 14 : i64} {
  func.func @_sc_hop_tgt_body(%arg0: i32, %arg1: i32, %arg2: memref<1000001x128xf32, #tpu.memory_space<hbm>>, %arg3: memref<32x56x128xi32, #tpu.memory_space<hbm>>, %arg4: memref<4096xi32, #tpu.memory_space<hbm>>, %arg5: memref<229376x128xf32, #tpu.memory_space<hbm>>, %arg6: memref<4096x128xf32, #tpu.memory_space<hbm>>, %arg7: memref<56x128xi32, #tpu.memory_space<vmem>>, %arg8: memref<128xi32, #tpu.memory_space<vmem>>, %arg9: memref<128x128xf32, #tpu.memory_space<vmem>>, %arg10: memref<128x128xf32, #tpu.memory_space<vmem>>, %arg11: memref<!tpu.dma_semaphore, #tpu.memory_space<semaphore_mem>>, %arg12: memref<!tpu.dma_semaphore, #tpu.memory_space<semaphore_mem>>, %arg13: memref<!tpu.dma_semaphore, #tpu.memory_space<semaphore_mem>>) attributes {dimension_semantics = [#tpu.dimension_semantics<core_parallel>, #tpu.dimension_semantics<subcore_parallel>], iteration_bounds = array<i64: 2, 16>, scalar_prefetch = 0 : i64, scratch_operands = 7 : i64, tpu.core_type = #tpu.core_type<sc_vector_subcore>, window_params = [{transform_indices = #map}, {transform_indices = #map1}, {transform_indices = #map2}, {transform_indices = #map}, {transform_indices = #map}]} {
    %mul3A = arith.constant 2 : i32
    %mul3A_0 = arith.muli %arg1, %mul3A : i32
    %add3A = arith.addi %mul3A_0, %arg0 : i32
    "tpu.region"() ({
      %run_scoped3A = tpu.sem_alloc : memref<!tpu.dma_semaphore, #tpu.memory_space<semaphore_mem>>
      %dma_start3A_54 = arith.constant 0 : i32
      %dma_start3A_55 = arith.constant 0 : i32
      %dma_start3A_56 = tpu.memref_slice %arg3[%add3A, %dma_start3A_54, %dma_start3A_55] : memref<32x56x128xi32, #tpu.memory_space<hbm>> -> memref<1x56x128xi32, #tpu.memory_space<hbm>>
      %dma_start3A_57 = tpu.memref_squeeze %dma_start3A_56 : memref<1x56x128xi32, #tpu.memory_space<hbm>> -> memref<56x128xi32, #tpu.memory_space<hbm>>
      %dma_start3A_58 = arith.constant 0 : i32
      %dma_start3A_59 = arith.constant 0 : i32
      %dma_start3A_60 = tpu.memref_slice %arg3[%add3A, %dma_start3A_58, %dma_start3A_59] : memref<32x56x128xi32, #tpu.memory_space<hbm>> -> memref<1x56x128xi32, #tpu.memory_space<hbm>>
      %dma_start3A_61 = tpu.memref_squeeze %dma_start3A_60 : memref<1x56x128xi32, #tpu.memory_space<hbm>> -> memref<56x128xi32, #tpu.memory_space<hbm>>
      tpu.enqueue_dma source(%dma_start3A_61 : memref<56x128xi32, #tpu.memory_space<hbm>>) target(%arg7 : memref<56x128xi32, #tpu.memory_space<vmem>>) target_semaphore(%run_scoped3A : memref<!tpu.dma_semaphore, #tpu.memory_space<semaphore_mem>>)
      %dma_wait3A_62 = arith.constant 0 : i32
      %dma_wait3A_63 = arith.constant 0 : i32
      %dma_wait3A_64 = tpu.memref_slice %arg3[%add3A, %dma_wait3A_62, %dma_wait3A_63] : memref<32x56x128xi32, #tpu.memory_space<hbm>> -> memref<1x56x128xi32, #tpu.memory_space<hbm>>
      %dma_wait3A_65 = tpu.memref_squeeze %dma_wait3A_64 : memref<1x56x128xi32, #tpu.memory_space<hbm>> -> memref<56x128xi32, #tpu.memory_space<hbm>>
      %dma_wait3A_66 = arith.constant 0 : i32
      %dma_wait3A_67 = arith.constant 0 : i32
      %dma_wait3A_68 = tpu.memref_slice %arg3[%add3A, %dma_wait3A_66, %dma_wait3A_67] : memref<32x56x128xi32, #tpu.memory_space<hbm>> -> memref<1x56x128xi32, #tpu.memory_space<hbm>>
      %dma_wait3A_69 = tpu.memref_squeeze %dma_wait3A_68 : memref<1x56x128xi32, #tpu.memory_space<hbm>> -> memref<56x128xi32, #tpu.memory_space<hbm>>
      tpu.wait_dma2 semaphore(%run_scoped3A : memref<!tpu.dma_semaphore, #tpu.memory_space<semaphore_mem>>) src(%dma_wait3A_69 : memref<56x128xi32, #tpu.memory_space<hbm>>) dst(%arg7 : memref<56x128xi32, #tpu.memory_space<vmem>>)
      tpu.yield
    }) : () -> ()
    %mul3A_1 = arith.constant 7168 : i32
    %mul3A_2 = arith.muli %add3A, %mul3A_1 : i32
    %scan3A = arith.constant 0 : i32
    %scan3A_3 = arith.constant 0 : i32
    %scan3A_4 = arith.constant 28 : i32
    %scan3A_5 = arith.addi %scan3A_3, %scan3A_4 : i32
    %scan3A_6 = arith.constant 1 : i32
    scf.for %scan3A_54 = %scan3A_3 to %scan3A_5 step %scan3A_6  : i32 {
      %mul3A_55 = arith.constant 2 : i32
      %mul3A_56 = arith.muli %scan3A_54, %mul3A_55 : i32
      %add3A_57 = arith.constant 0 : i32
      %add3A_58 = arith.addi %mul3A_56, %add3A_57 : i32
      %gt3A = arith.constant 0 : i32
      %gt3A_59 = arith.cmpi sgt, %scan3A_54, %gt3A : i32
      %convert_element_type3A = arith.extui %gt3A_59 : i1 to i32
      %cond3A = arith.constant 0 : i32
      %cond3A_60 = arith.cmpi ne, %convert_element_type3A, %cond3A : i32
      scf.if %cond3A_60 {
        %dma_wait3A_108 = arith.constant 0 : i32
        %dma_wait3A_109 = arith.constant 0 : i32
        %dma_wait3A_110 = tpu.memref_slice %arg5[%dma_wait3A_108, %dma_wait3A_109] : memref<229376x128xf32, #tpu.memory_space<hbm>> -> memref<128x128xf32, #tpu.memory_space<hbm>>
        %dma_wait3A_111 = arith.constant 0 : i32
        %dma_wait3A_112 = arith.constant 0 : i32
        %dma_wait3A_113 = tpu.memref_slice %arg5[%dma_wait3A_111, %dma_wait3A_112] : memref<229376x128xf32, #tpu.memory_space<hbm>> -> memref<128x128xf32, #tpu.memory_space<hbm>>
        tpu.wait_dma2 semaphore(%arg12 : memref<!tpu.dma_semaphore, #tpu.memory_space<semaphore_mem>>) src(%dma_wait3A_113 : memref<128x128xf32, #tpu.memory_space<hbm>>) dst(%arg9 : memref<128x128xf32, #tpu.memory_space<vmem>>)
      } else {
      }
      %dma_start3A_61 = arith.constant 0 : i32
      %dma_start3A_62 = tpu.memref_slice %arg7[%add3A_58, %dma_start3A_61] : memref<56x128xi32, #tpu.memory_space<vmem>> -> memref<1x128xi32, #tpu.memory_space<vmem>>
      %dma_start3A_63 = tpu.memref_squeeze %dma_start3A_62 : memref<1x128xi32, #tpu.memory_space<vmem>> -> memref<128xi32, #tpu.memory_space<vmem>>
      %dma_start3A_64 = arith.constant 0 : i32
      %dma_start3A_65 = arith.constant 0 : i32
      %dma_start3A_66 = tpu.memref_slice %arg2[%dma_start3A_64, %dma_start3A_65] : memref<1000001x128xf32, #tpu.memory_space<hbm>> -> memref<1000001x128xf32, #tpu.memory_space<hbm>>
      tpu.enqueue_indirect_dma source(%dma_start3A_66 : memref<1000001x128xf32, #tpu.memory_space<hbm>>) target(%arg9 : memref<128x128xf32, #tpu.memory_space<vmem>>) offsets(%dma_start3A_63 : memref<128xi32, #tpu.memory_space<vmem>>) semaphore(%arg11 : memref<!tpu.dma_semaphore, #tpu.memory_space<semaphore_mem>>)
      %dma_wait3A_67 = arith.constant 0 : i32
      %dma_wait3A_68 = tpu.memref_slice %arg7[%add3A_58, %dma_wait3A_67] : memref<56x128xi32, #tpu.memory_space<vmem>> -> memref<1x128xi32, #tpu.memory_space<vmem>>
      %dma_wait3A_69 = tpu.memref_squeeze %dma_wait3A_68 : memref<1x128xi32, #tpu.memory_space<vmem>> -> memref<128xi32, #tpu.memory_space<vmem>>
      %dma_wait3A_70 = arith.constant 0 : i32
      %dma_wait3A_71 = arith.constant 0 : i32
      %dma_wait3A_72 = tpu.memref_slice %arg2[%dma_wait3A_70, %dma_wait3A_71] : memref<1000001x128xf32, #tpu.memory_space<hbm>> -> memref<1000001x128xf32, #tpu.memory_space<hbm>>
      tpu.wait_indirect_dma semaphore(%arg11 : memref<!tpu.dma_semaphore, #tpu.memory_space<semaphore_mem>>) src(%dma_wait3A_72 : memref<1000001x128xf32, #tpu.memory_space<hbm>>) dst(%arg9 : memref<128x128xf32, #tpu.memory_space<vmem>>)
      %mul3A_73 = arith.constant 128 : i32
      %mul3A_74 = arith.muli %add3A_58, %mul3A_73 : i32
      %add3A_75 = arith.addi %mul3A_2, %mul3A_74 : i32
      %dma_start3A_76 = arith.constant 0 : i32
      %dma_start3A_77 = tpu.memref_slice %arg5[%add3A_75, %dma_start3A_76] : memref<229376x128xf32, #tpu.memory_space<hbm>> -> memref<128x128xf32, #tpu.memory_space<hbm>>
      %dma_start3A_78 = arith.constant 0 : i32
      %dma_start3A_79 = tpu.memref_slice %arg5[%add3A_75, %dma_start3A_78] : memref<229376x128xf32, #tpu.memory_space<hbm>> -> memref<128x128xf32, #tpu.memory_space<hbm>>
      tpu.enqueue_dma source(%arg9 : memref<128x128xf32, #tpu.memory_space<vmem>>) target(%dma_start3A_79 : memref<128x128xf32, #tpu.memory_space<hbm>>) target_semaphore(%arg12 : memref<!tpu.dma_semaphore, #tpu.memory_space<semaphore_mem>>)
      %mul3A_80 = arith.constant 2 : i32
      %mul3A_81 = arith.muli %scan3A_54, %mul3A_80 : i32
      %add3A_82 = arith.constant 1 : i32
      %add3A_83 = arith.addi %mul3A_81, %add3A_82 : i32
      %gt3A_84 = arith.constant 0 : i32
      %gt3A_85 = arith.cmpi sgt, %scan3A_54, %gt3A_84 : i32
      %convert_element_type3A_86 = arith.extui %gt3A_85 : i1 to i32
      %cond3A_87 = arith.constant 0 : i32
      %cond3A_88 = arith.cmpi ne, %convert_element_type3A_86, %cond3A_87 : i32
      scf.if %cond3A_88 {
        %dma_wait3A_108 = arith.constant 0 : i32
        %dma_wait3A_109 = arith.constant 0 : i32
        %dma_wait3A_110 = tpu.memref_slice %arg5[%dma_wait3A_108, %dma_wait3A_109] : memref<229376x128xf32, #tpu.memory_space<hbm>> -> memref<128x128xf32, #tpu.memory_space<hbm>>
        %dma_wait3A_111 = arith.constant 0 : i32
        %dma_wait3A_112 = arith.constant 0 : i32
        %dma_wait3A_113 = tpu.memref_slice %arg5[%dma_wait3A_111, %dma_wait3A_112] : memref<229376x128xf32, #tpu.memory_space<hbm>> -> memref<128x128xf32, #tpu.memory_space<hbm>>
        tpu.wait_dma2 semaphore(%arg13 : memref<!tpu.dma_semaphore, #tpu.memory_space<semaphore_mem>>) src(%dma_wait3A_113 : memref<128x128xf32, #tpu.memory_space<hbm>>) dst(%arg10 : memref<128x128xf32, #tpu.memory_space<vmem>>)
      } else {
      }
      %dma_start3A_89 = arith.constant 0 : i32
      %dma_start3A_90 = tpu.memref_slice %arg7[%add3A_83, %dma_start3A_89] : memref<56x128xi32, #tpu.memory_space<vmem>> -> memref<1x128xi32, #tpu.memory_space<vmem>>
      %dma_start3A_91 = tpu.memref_squeeze %dma_start3A_90 : memref<1x128xi32, #tpu.memory_space<vmem>> -> memref<128xi32, #tpu.memory_space<vmem>>
      %dma_start3A_92 = arith.constant 0 : i32
      %dma_start3A_93 = arith.constant 0 : i32
      %dma_start3A_94 = tpu.memref_slice %arg2[%dma_start3A_92, %dma_start3A_93] : memref<1000001x128xf32, #tpu.memory_space<hbm>> -> memref<1000001x128xf32, #tpu.memory_space<hbm>>
      tpu.enqueue_indirect_dma source(%dma_start3A_94 : memref<1000001x128xf32, #tpu.memory_space<hbm>>) target(%arg10 : memref<128x128xf32, #tpu.memory_space<vmem>>) offsets(%dma_start3A_91 : memref<128xi32, #tpu.memory_space<vmem>>) semaphore(%arg11 : memref<!tpu.dma_semaphore, #tpu.memory_space<semaphore_mem>>)
      %dma_wait3A_95 = arith.constant 0 : i32
      %dma_wait3A_96 = tpu.memref_slice %arg7[%add3A_83, %dma_wait3A_95] : memref<56x128xi32, #tpu.memory_space<vmem>> -> memref<1x128xi32, #tpu.memory_space<vmem>>
      %dma_wait3A_97 = tpu.memref_squeeze %dma_wait3A_96 : memref<1x128xi32, #tpu.memory_space<vmem>> -> memref<128xi32, #tpu.memory_space<vmem>>
      %dma_wait3A_98 = arith.constant 0 : i32
      %dma_wait3A_99 = arith.constant 0 : i32
      %dma_wait3A_100 = tpu.memref_slice %arg2[%dma_wait3A_98, %dma_wait3A_99] : memref<1000001x128xf32, #tpu.memory_space<hbm>> -> memref<1000001x128xf32, #tpu.memory_space<hbm>>
      tpu.wait_indirect_dma semaphore(%arg11 : memref<!tpu.dma_semaphore, #tpu.memory_space<semaphore_mem>>) src(%dma_wait3A_100 : memref<1000001x128xf32, #tpu.memory_space<hbm>>) dst(%arg10 : memref<128x128xf32, #tpu.memory_space<vmem>>)
      %mul3A_101 = arith.constant 128 : i32
      %mul3A_102 = arith.muli %add3A_83, %mul3A_101 : i32
      %add3A_103 = arith.addi %mul3A_2, %mul3A_102 : i32
      %dma_start3A_104 = arith.constant 0 : i32
      %dma_start3A_105 = tpu.memref_slice %arg5[%add3A_103, %dma_start3A_104] : memref<229376x128xf32, #tpu.memory_space<hbm>> -> memref<128x128xf32, #tpu.memory_space<hbm>>
      %dma_start3A_106 = arith.constant 0 : i32
      %dma_start3A_107 = tpu.memref_slice %arg5[%add3A_103, %dma_start3A_106] : memref<229376x128xf32, #tpu.memory_space<hbm>> -> memref<128x128xf32, #tpu.memory_space<hbm>>
      tpu.enqueue_dma source(%arg10 : memref<128x128xf32, #tpu.memory_space<vmem>>) target(%dma_start3A_107 : memref<128x128xf32, #tpu.memory_space<hbm>>) target_semaphore(%arg13 : memref<!tpu.dma_semaphore, #tpu.memory_space<semaphore_mem>>)
    }
    %scan3A_7 = arith.constant 28 : i32
    %dma_wait3A = arith.constant 0 : i32
    %dma_wait3A_8 = arith.constant 0 : i32
    %dma_wait3A_9 = tpu.memref_slice %arg5[%dma_wait3A, %dma_wait3A_8] : memref<229376x128xf32, #tpu.memory_space<hbm>> -> memref<128x128xf32, #tpu.memory_space<hbm>>
    %dma_wait3A_10 = arith.constant 0 : i32
    %dma_wait3A_11 = arith.constant 0 : i32
    %dma_wait3A_12 = tpu.memref_slice %arg5[%dma_wait3A_10, %dma_wait3A_11] : memref<229376x128xf32, #tpu.memory_space<hbm>> -> memref<128x128xf32, #tpu.memory_space<hbm>>
    tpu.wait_dma2 semaphore(%arg12 : memref<!tpu.dma_semaphore, #tpu.memory_space<semaphore_mem>>) src(%dma_wait3A_12 : memref<128x128xf32, #tpu.memory_space<hbm>>) dst(%arg9 : memref<128x128xf32, #tpu.memory_space<vmem>>)
    %dma_wait3A_13 = arith.constant 0 : i32
    %dma_wait3A_14 = arith.constant 0 : i32
    %dma_wait3A_15 = tpu.memref_slice %arg5[%dma_wait3A_13, %dma_wait3A_14] : memref<229376x128xf32, #tpu.memory_space<hbm>> -> memref<128x128xf32, #tpu.memory_space<hbm>>
    %dma_wait3A_16 = arith.constant 0 : i32
    %dma_wait3A_17 = arith.constant 0 : i32
    %dma_wait3A_18 = tpu.memref_slice %arg5[%dma_wait3A_16, %dma_wait3A_17] : memref<229376x128xf32, #tpu.memory_space<hbm>> -> memref<128x128xf32, #tpu.memory_space<hbm>>
    tpu.wait_dma2 semaphore(%arg13 : memref<!tpu.dma_semaphore, #tpu.memory_space<semaphore_mem>>) src(%dma_wait3A_18 : memref<128x128xf32, #tpu.memory_space<hbm>>) dst(%arg10 : memref<128x128xf32, #tpu.memory_space<vmem>>)
    %mul3A_19 = arith.constant 128 : i32
    %mul3A_20 = arith.muli %add3A, %mul3A_19 : i32
    "tpu.region"() ({
      %run_scoped3A = tpu.sem_alloc : memref<!tpu.dma_semaphore, #tpu.memory_space<semaphore_mem>>
      %dma_start3A_54 = tpu.memref_slice %arg4[%mul3A_20] : memref<4096xi32, #tpu.memory_space<hbm>> -> memref<128xi32, #tpu.memory_space<hbm>>
      %dma_start3A_55 = tpu.memref_slice %arg4[%mul3A_20] : memref<4096xi32, #tpu.memory_space<hbm>> -> memref<128xi32, #tpu.memory_space<hbm>>
      tpu.enqueue_dma source(%dma_start3A_55 : memref<128xi32, #tpu.memory_space<hbm>>) target(%arg8 : memref<128xi32, #tpu.memory_space<vmem>>) target_semaphore(%run_scoped3A : memref<!tpu.dma_semaphore, #tpu.memory_space<semaphore_mem>>)
      %dma_wait3A_56 = tpu.memref_slice %arg4[%mul3A_20] : memref<4096xi32, #tpu.memory_space<hbm>> -> memref<128xi32, #tpu.memory_space<hbm>>
      %dma_wait3A_57 = tpu.memref_slice %arg4[%mul3A_20] : memref<4096xi32, #tpu.memory_space<hbm>> -> memref<128xi32, #tpu.memory_space<hbm>>
      tpu.wait_dma2 semaphore(%run_scoped3A : memref<!tpu.dma_semaphore, #tpu.memory_space<semaphore_mem>>) src(%dma_wait3A_57 : memref<128xi32, #tpu.memory_space<hbm>>) dst(%arg8 : memref<128xi32, #tpu.memory_space<vmem>>)
      tpu.yield
    }) : () -> ()
    %dma_start3A = arith.constant 0 : i32
    %dma_start3A_21 = arith.constant 0 : i32
    %dma_start3A_22 = tpu.memref_slice %arg9[%dma_start3A, %dma_start3A_21] : memref<128x128xf32, #tpu.memory_space<vmem>> -> memref<128x128xf32, #tpu.memory_space<vmem>>
    %dma_start3A_23 = arith.constant 0 : i32
    %dma_start3A_24 = arith.constant 0 : i32
    %dma_start3A_25 = tpu.memref_slice %arg2[%dma_start3A_23, %dma_start3A_24] : memref<1000001x128xf32, #tpu.memory_space<hbm>> -> memref<1000001x128xf32, #tpu.memory_space<hbm>>
    tpu.enqueue_indirect_dma source(%dma_start3A_25 : memref<1000001x128xf32, #tpu.memory_space<hbm>>) target(%dma_start3A_22 : memref<128x128xf32, #tpu.memory_space<vmem>>) offsets(%arg8 : memref<128xi32, #tpu.memory_space<vmem>>) semaphore(%arg11 : memref<!tpu.dma_semaphore, #tpu.memory_space<semaphore_mem>>)
    %dma_wait3A_26 = arith.constant 0 : i32
    %dma_wait3A_27 = arith.constant 0 : i32
    %dma_wait3A_28 = tpu.memref_slice %arg9[%dma_wait3A_26, %dma_wait3A_27] : memref<128x128xf32, #tpu.memory_space<vmem>> -> memref<128x128xf32, #tpu.memory_space<vmem>>
    %dma_wait3A_29 = arith.constant 0 : i32
    %dma_wait3A_30 = arith.constant 0 : i32
    %dma_wait3A_31 = tpu.memref_slice %arg2[%dma_wait3A_29, %dma_wait3A_30] : memref<1000001x128xf32, #tpu.memory_space<hbm>> -> memref<1000001x128xf32, #tpu.memory_space<hbm>>
    tpu.wait_indirect_dma semaphore(%arg11 : memref<!tpu.dma_semaphore, #tpu.memory_space<semaphore_mem>>) src(%dma_wait3A_31 : memref<1000001x128xf32, #tpu.memory_space<hbm>>) dst(%dma_wait3A_28 : memref<128x128xf32, #tpu.memory_space<vmem>>)
    %mul3A_32 = arith.constant 128 : i32
    %mul3A_33 = arith.muli %add3A, %mul3A_32 : i32
    %dma_start3A_34 = arith.constant 0 : i32
    %dma_start3A_35 = arith.constant 0 : i32
    %dma_start3A_36 = tpu.memref_slice %arg9[%dma_start3A_34, %dma_start3A_35] : memref<128x128xf32, #tpu.memory_space<vmem>> -> memref<128x128xf32, #tpu.memory_space<vmem>>
    %dma_start3A_37 = arith.constant 0 : i32
    %dma_start3A_38 = tpu.memref_slice %arg6[%mul3A_33, %dma_start3A_37] : memref<4096x128xf32, #tpu.memory_space<hbm>> -> memref<128x128xf32, #tpu.memory_space<hbm>>
    %dma_start3A_39 = arith.constant 0 : i32
    %dma_start3A_40 = tpu.memref_slice %arg6[%mul3A_33, %dma_start3A_39] : memref<4096x128xf32, #tpu.memory_space<hbm>> -> memref<128x128xf32, #tpu.memory_space<hbm>>
    %dma_start3A_41 = arith.constant 0 : i32
    %dma_start3A_42 = arith.constant 0 : i32
    %dma_start3A_43 = tpu.memref_slice %arg9[%dma_start3A_41, %dma_start3A_42] : memref<128x128xf32, #tpu.memory_space<vmem>> -> memref<128x128xf32, #tpu.memory_space<vmem>>
    tpu.enqueue_dma source(%dma_start3A_43 : memref<128x128xf32, #tpu.memory_space<vmem>>) target(%dma_start3A_40 : memref<128x128xf32, #tpu.memory_space<hbm>>) target_semaphore(%arg12 : memref<!tpu.dma_semaphore, #tpu.memory_space<semaphore_mem>>)
    %dma_wait3A_44 = arith.constant 0 : i32
    %dma_wait3A_45 = arith.constant 0 : i32
    %dma_wait3A_46 = tpu.memref_slice %arg9[%dma_wait3A_44, %dma_wait3A_45] : memref<128x128xf32, #tpu.memory_space<vmem>> -> memref<128x128xf32, #tpu.memory_space<vmem>>
    %dma_wait3A_47 = arith.constant 0 : i32
    %dma_wait3A_48 = tpu.memref_slice %arg6[%mul3A_33, %dma_wait3A_47] : memref<4096x128xf32, #tpu.memory_space<hbm>> -> memref<128x128xf32, #tpu.memory_space<hbm>>
    %dma_wait3A_49 = arith.constant 0 : i32
    %dma_wait3A_50 = tpu.memref_slice %arg6[%mul3A_33, %dma_wait3A_49] : memref<4096x128xf32, #tpu.memory_space<hbm>> -> memref<128x128xf32, #tpu.memory_space<hbm>>
    %dma_wait3A_51 = arith.constant 0 : i32
    %dma_wait3A_52 = arith.constant 0 : i32
    %dma_wait3A_53 = tpu.memref_slice %arg9[%dma_wait3A_51, %dma_wait3A_52] : memref<128x128xf32, #tpu.memory_space<vmem>> -> memref<128x128xf32, #tpu.memory_space<vmem>>
    tpu.wait_dma2 semaphore(%arg12 : memref<!tpu.dma_semaphore, #tpu.memory_space<semaphore_mem>>) src(%dma_wait3A_53 : memref<128x128xf32, #tpu.memory_space<vmem>>) dst(%dma_wait3A_50 : memref<128x128xf32, #tpu.memory_space<hbm>>)
    return
  }
}

#map = affine_map<(d0, d1) -> (0, 0)>
#map1 = affine_map<(d0, d1) -> (0, 0, 0)>
module attributes {stable_mosaic.version = 14 : i64} {
  func.func @_sc_hop_body(%arg0: i32, %arg1: i32, %arg2: memref<1000001x128xf32, #tpu.memory_space<hbm>>, %arg3: memref<32x56x128xi32, #tpu.memory_space<hbm>>, %arg4: memref<229376x128xf32, #tpu.memory_space<hbm>>, %arg5: memref<56x128xi32, #tpu.memory_space<vmem>>, %arg6: memref<128x128xf32, #tpu.memory_space<vmem>>, %arg7: memref<128x128xf32, #tpu.memory_space<vmem>>, %arg8: memref<!tpu.dma_semaphore, #tpu.memory_space<semaphore_mem>>, %arg9: memref<!tpu.dma_semaphore, #tpu.memory_space<semaphore_mem>>, %arg10: memref<!tpu.dma_semaphore, #tpu.memory_space<semaphore_mem>>) attributes {dimension_semantics = [#tpu.dimension_semantics<core_parallel>, #tpu.dimension_semantics<subcore_parallel>], iteration_bounds = array<i64: 2, 16>, scalar_prefetch = 0 : i64, scratch_operands = 6 : i64, tpu.core_type = #tpu.core_type<sc_vector_subcore>, window_params = [{transform_indices = #map}, {transform_indices = #map1}, {transform_indices = #map}]} {
    %mul3A = arith.constant 2 : i32
    %mul3A_0 = arith.muli %arg1, %mul3A : i32
    %add3A = arith.addi %mul3A_0, %arg0 : i32
    "tpu.region"() ({
      %run_scoped3A = tpu.sem_alloc : memref<!tpu.dma_semaphore, #tpu.memory_space<semaphore_mem>>
      %dma_start3A = arith.constant 0 : i32
      %dma_start3A_19 = arith.constant 0 : i32
      %dma_start3A_20 = tpu.memref_slice %arg3[%add3A, %dma_start3A, %dma_start3A_19] : memref<32x56x128xi32, #tpu.memory_space<hbm>> -> memref<1x56x128xi32, #tpu.memory_space<hbm>>
      %dma_start3A_21 = tpu.memref_squeeze %dma_start3A_20 : memref<1x56x128xi32, #tpu.memory_space<hbm>> -> memref<56x128xi32, #tpu.memory_space<hbm>>
      %dma_start3A_22 = arith.constant 0 : i32
      %dma_start3A_23 = arith.constant 0 : i32
      %dma_start3A_24 = tpu.memref_slice %arg3[%add3A, %dma_start3A_22, %dma_start3A_23] : memref<32x56x128xi32, #tpu.memory_space<hbm>> -> memref<1x56x128xi32, #tpu.memory_space<hbm>>
      %dma_start3A_25 = tpu.memref_squeeze %dma_start3A_24 : memref<1x56x128xi32, #tpu.memory_space<hbm>> -> memref<56x128xi32, #tpu.memory_space<hbm>>
      tpu.enqueue_dma source(%dma_start3A_25 : memref<56x128xi32, #tpu.memory_space<hbm>>) target(%arg5 : memref<56x128xi32, #tpu.memory_space<vmem>>) target_semaphore(%run_scoped3A : memref<!tpu.dma_semaphore, #tpu.memory_space<semaphore_mem>>)
      %dma_wait3A_26 = arith.constant 0 : i32
      %dma_wait3A_27 = arith.constant 0 : i32
      %dma_wait3A_28 = tpu.memref_slice %arg3[%add3A, %dma_wait3A_26, %dma_wait3A_27] : memref<32x56x128xi32, #tpu.memory_space<hbm>> -> memref<1x56x128xi32, #tpu.memory_space<hbm>>
      %dma_wait3A_29 = tpu.memref_squeeze %dma_wait3A_28 : memref<1x56x128xi32, #tpu.memory_space<hbm>> -> memref<56x128xi32, #tpu.memory_space<hbm>>
      %dma_wait3A_30 = arith.constant 0 : i32
      %dma_wait3A_31 = arith.constant 0 : i32
      %dma_wait3A_32 = tpu.memref_slice %arg3[%add3A, %dma_wait3A_30, %dma_wait3A_31] : memref<32x56x128xi32, #tpu.memory_space<hbm>> -> memref<1x56x128xi32, #tpu.memory_space<hbm>>
      %dma_wait3A_33 = tpu.memref_squeeze %dma_wait3A_32 : memref<1x56x128xi32, #tpu.memory_space<hbm>> -> memref<56x128xi32, #tpu.memory_space<hbm>>
      tpu.wait_dma2 semaphore(%run_scoped3A : memref<!tpu.dma_semaphore, #tpu.memory_space<semaphore_mem>>) src(%dma_wait3A_33 : memref<56x128xi32, #tpu.memory_space<hbm>>) dst(%arg5 : memref<56x128xi32, #tpu.memory_space<vmem>>)
      tpu.yield
    }) : () -> ()
    %mul3A_1 = arith.constant 7168 : i32
    %mul3A_2 = arith.muli %add3A, %mul3A_1 : i32
    %scan3A = arith.constant 0 : i32
    %scan3A_3 = arith.constant 0 : i32
    %scan3A_4 = arith.constant 28 : i32
    %scan3A_5 = arith.addi %scan3A_3, %scan3A_4 : i32
    %scan3A_6 = arith.constant 1 : i32
    scf.for %scan3A_19 = %scan3A_3 to %scan3A_5 step %scan3A_6  : i32 {
      %mul3A_20 = arith.constant 2 : i32
      %mul3A_21 = arith.muli %scan3A_19, %mul3A_20 : i32
      %add3A_22 = arith.constant 0 : i32
      %add3A_23 = arith.addi %mul3A_21, %add3A_22 : i32
      %gt3A = arith.constant 0 : i32
      %gt3A_24 = arith.cmpi sgt, %scan3A_19, %gt3A : i32
      %convert_element_type3A = arith.extui %gt3A_24 : i1 to i32
      %cond3A = arith.constant 0 : i32
      %cond3A_25 = arith.cmpi ne, %convert_element_type3A, %cond3A : i32
      scf.if %cond3A_25 {
        %dma_wait3A_72 = arith.constant 0 : i32
        %dma_wait3A_73 = arith.constant 0 : i32
        %dma_wait3A_74 = tpu.memref_slice %arg4[%dma_wait3A_72, %dma_wait3A_73] : memref<229376x128xf32, #tpu.memory_space<hbm>> -> memref<128x128xf32, #tpu.memory_space<hbm>>
        %dma_wait3A_75 = arith.constant 0 : i32
        %dma_wait3A_76 = arith.constant 0 : i32
        %dma_wait3A_77 = tpu.memref_slice %arg4[%dma_wait3A_75, %dma_wait3A_76] : memref<229376x128xf32, #tpu.memory_space<hbm>> -> memref<128x128xf32, #tpu.memory_space<hbm>>
        tpu.wait_dma2 semaphore(%arg9 : memref<!tpu.dma_semaphore, #tpu.memory_space<semaphore_mem>>) src(%dma_wait3A_77 : memref<128x128xf32, #tpu.memory_space<hbm>>) dst(%arg6 : memref<128x128xf32, #tpu.memory_space<vmem>>)
      } else {
      }
      %dma_start3A = arith.constant 0 : i32
      %dma_start3A_26 = tpu.memref_slice %arg5[%add3A_23, %dma_start3A] : memref<56x128xi32, #tpu.memory_space<vmem>> -> memref<1x128xi32, #tpu.memory_space<vmem>>
      %dma_start3A_27 = tpu.memref_squeeze %dma_start3A_26 : memref<1x128xi32, #tpu.memory_space<vmem>> -> memref<128xi32, #tpu.memory_space<vmem>>
      %dma_start3A_28 = arith.constant 0 : i32
      %dma_start3A_29 = arith.constant 0 : i32
      %dma_start3A_30 = tpu.memref_slice %arg2[%dma_start3A_28, %dma_start3A_29] : memref<1000001x128xf32, #tpu.memory_space<hbm>> -> memref<1000001x128xf32, #tpu.memory_space<hbm>>
      tpu.enqueue_indirect_dma source(%dma_start3A_30 : memref<1000001x128xf32, #tpu.memory_space<hbm>>) target(%arg6 : memref<128x128xf32, #tpu.memory_space<vmem>>) offsets(%dma_start3A_27 : memref<128xi32, #tpu.memory_space<vmem>>) semaphore(%arg8 : memref<!tpu.dma_semaphore, #tpu.memory_space<semaphore_mem>>)
      %dma_wait3A_31 = arith.constant 0 : i32
      %dma_wait3A_32 = tpu.memref_slice %arg5[%add3A_23, %dma_wait3A_31] : memref<56x128xi32, #tpu.memory_space<vmem>> -> memref<1x128xi32, #tpu.memory_space<vmem>>
      %dma_wait3A_33 = tpu.memref_squeeze %dma_wait3A_32 : memref<1x128xi32, #tpu.memory_space<vmem>> -> memref<128xi32, #tpu.memory_space<vmem>>
      %dma_wait3A_34 = arith.constant 0 : i32
      %dma_wait3A_35 = arith.constant 0 : i32
      %dma_wait3A_36 = tpu.memref_slice %arg2[%dma_wait3A_34, %dma_wait3A_35] : memref<1000001x128xf32, #tpu.memory_space<hbm>> -> memref<1000001x128xf32, #tpu.memory_space<hbm>>
      tpu.wait_indirect_dma semaphore(%arg8 : memref<!tpu.dma_semaphore, #tpu.memory_space<semaphore_mem>>) src(%dma_wait3A_36 : memref<1000001x128xf32, #tpu.memory_space<hbm>>) dst(%arg6 : memref<128x128xf32, #tpu.memory_space<vmem>>)
      %mul3A_37 = arith.constant 128 : i32
      %mul3A_38 = arith.muli %add3A_23, %mul3A_37 : i32
      %add3A_39 = arith.addi %mul3A_2, %mul3A_38 : i32
      %dma_start3A_40 = arith.constant 0 : i32
      %dma_start3A_41 = tpu.memref_slice %arg4[%add3A_39, %dma_start3A_40] : memref<229376x128xf32, #tpu.memory_space<hbm>> -> memref<128x128xf32, #tpu.memory_space<hbm>>
      %dma_start3A_42 = arith.constant 0 : i32
      %dma_start3A_43 = tpu.memref_slice %arg4[%add3A_39, %dma_start3A_42] : memref<229376x128xf32, #tpu.memory_space<hbm>> -> memref<128x128xf32, #tpu.memory_space<hbm>>
      tpu.enqueue_dma source(%arg6 : memref<128x128xf32, #tpu.memory_space<vmem>>) target(%dma_start3A_43 : memref<128x128xf32, #tpu.memory_space<hbm>>) target_semaphore(%arg9 : memref<!tpu.dma_semaphore, #tpu.memory_space<semaphore_mem>>)
      %mul3A_44 = arith.constant 2 : i32
      %mul3A_45 = arith.muli %scan3A_19, %mul3A_44 : i32
      %add3A_46 = arith.constant 1 : i32
      %add3A_47 = arith.addi %mul3A_45, %add3A_46 : i32
      %gt3A_48 = arith.constant 0 : i32
      %gt3A_49 = arith.cmpi sgt, %scan3A_19, %gt3A_48 : i32
      %convert_element_type3A_50 = arith.extui %gt3A_49 : i1 to i32
      %cond3A_51 = arith.constant 0 : i32
      %cond3A_52 = arith.cmpi ne, %convert_element_type3A_50, %cond3A_51 : i32
      scf.if %cond3A_52 {
        %dma_wait3A_72 = arith.constant 0 : i32
        %dma_wait3A_73 = arith.constant 0 : i32
        %dma_wait3A_74 = tpu.memref_slice %arg4[%dma_wait3A_72, %dma_wait3A_73] : memref<229376x128xf32, #tpu.memory_space<hbm>> -> memref<128x128xf32, #tpu.memory_space<hbm>>
        %dma_wait3A_75 = arith.constant 0 : i32
        %dma_wait3A_76 = arith.constant 0 : i32
        %dma_wait3A_77 = tpu.memref_slice %arg4[%dma_wait3A_75, %dma_wait3A_76] : memref<229376x128xf32, #tpu.memory_space<hbm>> -> memref<128x128xf32, #tpu.memory_space<hbm>>
        tpu.wait_dma2 semaphore(%arg10 : memref<!tpu.dma_semaphore, #tpu.memory_space<semaphore_mem>>) src(%dma_wait3A_77 : memref<128x128xf32, #tpu.memory_space<hbm>>) dst(%arg7 : memref<128x128xf32, #tpu.memory_space<vmem>>)
      } else {
      }
      %dma_start3A_53 = arith.constant 0 : i32
      %dma_start3A_54 = tpu.memref_slice %arg5[%add3A_47, %dma_start3A_53] : memref<56x128xi32, #tpu.memory_space<vmem>> -> memref<1x128xi32, #tpu.memory_space<vmem>>
      %dma_start3A_55 = tpu.memref_squeeze %dma_start3A_54 : memref<1x128xi32, #tpu.memory_space<vmem>> -> memref<128xi32, #tpu.memory_space<vmem>>
      %dma_start3A_56 = arith.constant 0 : i32
      %dma_start3A_57 = arith.constant 0 : i32
      %dma_start3A_58 = tpu.memref_slice %arg2[%dma_start3A_56, %dma_start3A_57] : memref<1000001x128xf32, #tpu.memory_space<hbm>> -> memref<1000001x128xf32, #tpu.memory_space<hbm>>
      tpu.enqueue_indirect_dma source(%dma_start3A_58 : memref<1000001x128xf32, #tpu.memory_space<hbm>>) target(%arg7 : memref<128x128xf32, #tpu.memory_space<vmem>>) offsets(%dma_start3A_55 : memref<128xi32, #tpu.memory_space<vmem>>) semaphore(%arg8 : memref<!tpu.dma_semaphore, #tpu.memory_space<semaphore_mem>>)
      %dma_wait3A_59 = arith.constant 0 : i32
      %dma_wait3A_60 = tpu.memref_slice %arg5[%add3A_47, %dma_wait3A_59] : memref<56x128xi32, #tpu.memory_space<vmem>> -> memref<1x128xi32, #tpu.memory_space<vmem>>
      %dma_wait3A_61 = tpu.memref_squeeze %dma_wait3A_60 : memref<1x128xi32, #tpu.memory_space<vmem>> -> memref<128xi32, #tpu.memory_space<vmem>>
      %dma_wait3A_62 = arith.constant 0 : i32
      %dma_wait3A_63 = arith.constant 0 : i32
      %dma_wait3A_64 = tpu.memref_slice %arg2[%dma_wait3A_62, %dma_wait3A_63] : memref<1000001x128xf32, #tpu.memory_space<hbm>> -> memref<1000001x128xf32, #tpu.memory_space<hbm>>
      tpu.wait_indirect_dma semaphore(%arg8 : memref<!tpu.dma_semaphore, #tpu.memory_space<semaphore_mem>>) src(%dma_wait3A_64 : memref<1000001x128xf32, #tpu.memory_space<hbm>>) dst(%arg7 : memref<128x128xf32, #tpu.memory_space<vmem>>)
      %mul3A_65 = arith.constant 128 : i32
      %mul3A_66 = arith.muli %add3A_47, %mul3A_65 : i32
      %add3A_67 = arith.addi %mul3A_2, %mul3A_66 : i32
      %dma_start3A_68 = arith.constant 0 : i32
      %dma_start3A_69 = tpu.memref_slice %arg4[%add3A_67, %dma_start3A_68] : memref<229376x128xf32, #tpu.memory_space<hbm>> -> memref<128x128xf32, #tpu.memory_space<hbm>>
      %dma_start3A_70 = arith.constant 0 : i32
      %dma_start3A_71 = tpu.memref_slice %arg4[%add3A_67, %dma_start3A_70] : memref<229376x128xf32, #tpu.memory_space<hbm>> -> memref<128x128xf32, #tpu.memory_space<hbm>>
      tpu.enqueue_dma source(%arg7 : memref<128x128xf32, #tpu.memory_space<vmem>>) target(%dma_start3A_71 : memref<128x128xf32, #tpu.memory_space<hbm>>) target_semaphore(%arg10 : memref<!tpu.dma_semaphore, #tpu.memory_space<semaphore_mem>>)
    }
    %scan3A_7 = arith.constant 28 : i32
    %dma_wait3A = arith.constant 0 : i32
    %dma_wait3A_8 = arith.constant 0 : i32
    %dma_wait3A_9 = tpu.memref_slice %arg4[%dma_wait3A, %dma_wait3A_8] : memref<229376x128xf32, #tpu.memory_space<hbm>> -> memref<128x128xf32, #tpu.memory_space<hbm>>
    %dma_wait3A_10 = arith.constant 0 : i32
    %dma_wait3A_11 = arith.constant 0 : i32
    %dma_wait3A_12 = tpu.memref_slice %arg4[%dma_wait3A_10, %dma_wait3A_11] : memref<229376x128xf32, #tpu.memory_space<hbm>> -> memref<128x128xf32, #tpu.memory_space<hbm>>
    tpu.wait_dma2 semaphore(%arg9 : memref<!tpu.dma_semaphore, #tpu.memory_space<semaphore_mem>>) src(%dma_wait3A_12 : memref<128x128xf32, #tpu.memory_space<hbm>>) dst(%arg6 : memref<128x128xf32, #tpu.memory_space<vmem>>)
    %dma_wait3A_13 = arith.constant 0 : i32
    %dma_wait3A_14 = arith.constant 0 : i32
    %dma_wait3A_15 = tpu.memref_slice %arg4[%dma_wait3A_13, %dma_wait3A_14] : memref<229376x128xf32, #tpu.memory_space<hbm>> -> memref<128x128xf32, #tpu.memory_space<hbm>>
    %dma_wait3A_16 = arith.constant 0 : i32
    %dma_wait3A_17 = arith.constant 0 : i32
    %dma_wait3A_18 = tpu.memref_slice %arg4[%dma_wait3A_16, %dma_wait3A_17] : memref<229376x128xf32, #tpu.memory_space<hbm>> -> memref<128x128xf32, #tpu.memory_space<hbm>>
    tpu.wait_dma2 semaphore(%arg10 : memref<!tpu.dma_semaphore, #tpu.memory_space<semaphore_mem>>) src(%dma_wait3A_18 : memref<128x128xf32, #tpu.memory_space<hbm>>) dst(%arg7 : memref<128x128xf32, #tpu.memory_space<vmem>>)
    return
  }
}

#map = affine_map<(d0, d1) -> (0, 0)>
#map1 = affine_map<(d0, d1) -> (0, 0, 0)>
module attributes {stable_mosaic.version = 14 : i64} {
  func.func @_sc_hop_body(%arg0: i32, %arg1: i32, %arg2: memref<1000001x128xf32, #tpu.memory_space<hbm>>, %arg3: memref<32x56x128xi32, #tpu.memory_space<hbm>>, %arg4: memref<229376x128xf32, #tpu.memory_space<hbm>>, %arg5: memref<56x128xi32, #tpu.memory_space<vmem>>, %arg6: memref<128x128xf32, #tpu.memory_space<vmem>>, %arg7: memref<128x128xf32, #tpu.memory_space<vmem>>, %arg8: memref<!tpu.dma_semaphore, #tpu.memory_space<semaphore_mem>>, %arg9: memref<!tpu.dma_semaphore, #tpu.memory_space<semaphore_mem>>, %arg10: memref<!tpu.dma_semaphore, #tpu.memory_space<semaphore_mem>>) attributes {dimension_semantics = [#tpu.dimension_semantics<core_parallel>, #tpu.dimension_semantics<subcore_parallel>], iteration_bounds = array<i64: 2, 16>, scalar_prefetch = 0 : i64, scratch_operands = 6 : i64, tpu.core_type = #tpu.core_type<sc_vector_subcore>, window_params = [{transform_indices = #map}, {transform_indices = #map1}, {transform_indices = #map}]} {
    %mul3A = arith.constant 2 : i32
    %mul3A_0 = arith.muli %arg1, %mul3A : i32
    %add3A = arith.addi %mul3A_0, %arg0 : i32
    "tpu.region"() ({
      %run_scoped3A = tpu.sem_alloc : memref<!tpu.dma_semaphore, #tpu.memory_space<semaphore_mem>>
      %dma_start3A = arith.constant 0 : i32
      %dma_start3A_19 = arith.constant 0 : i32
      %dma_start3A_20 = tpu.memref_slice %arg3[%add3A, %dma_start3A, %dma_start3A_19] : memref<32x56x128xi32, #tpu.memory_space<hbm>> -> memref<1x56x128xi32, #tpu.memory_space<hbm>>
      %dma_start3A_21 = tpu.memref_squeeze %dma_start3A_20 : memref<1x56x128xi32, #tpu.memory_space<hbm>> -> memref<56x128xi32, #tpu.memory_space<hbm>>
      %dma_start3A_22 = arith.constant 0 : i32
      %dma_start3A_23 = arith.constant 0 : i32
      %dma_start3A_24 = tpu.memref_slice %arg3[%add3A, %dma_start3A_22, %dma_start3A_23] : memref<32x56x128xi32, #tpu.memory_space<hbm>> -> memref<1x56x128xi32, #tpu.memory_space<hbm>>
      %dma_start3A_25 = tpu.memref_squeeze %dma_start3A_24 : memref<1x56x128xi32, #tpu.memory_space<hbm>> -> memref<56x128xi32, #tpu.memory_space<hbm>>
      tpu.enqueue_dma source(%dma_start3A_25 : memref<56x128xi32, #tpu.memory_space<hbm>>) target(%arg5 : memref<56x128xi32, #tpu.memory_space<vmem>>) target_semaphore(%run_scoped3A : memref<!tpu.dma_semaphore, #tpu.memory_space<semaphore_mem>>)
      %dma_wait3A_26 = arith.constant 0 : i32
      %dma_wait3A_27 = arith.constant 0 : i32
      %dma_wait3A_28 = tpu.memref_slice %arg3[%add3A, %dma_wait3A_26, %dma_wait3A_27] : memref<32x56x128xi32, #tpu.memory_space<hbm>> -> memref<1x56x128xi32, #tpu.memory_space<hbm>>
      %dma_wait3A_29 = tpu.memref_squeeze %dma_wait3A_28 : memref<1x56x128xi32, #tpu.memory_space<hbm>> -> memref<56x128xi32, #tpu.memory_space<hbm>>
      %dma_wait3A_30 = arith.constant 0 : i32
      %dma_wait3A_31 = arith.constant 0 : i32
      %dma_wait3A_32 = tpu.memref_slice %arg3[%add3A, %dma_wait3A_30, %dma_wait3A_31] : memref<32x56x128xi32, #tpu.memory_space<hbm>> -> memref<1x56x128xi32, #tpu.memory_space<hbm>>
      %dma_wait3A_33 = tpu.memref_squeeze %dma_wait3A_32 : memref<1x56x128xi32, #tpu.memory_space<hbm>> -> memref<56x128xi32, #tpu.memory_space<hbm>>
      tpu.wait_dma2 semaphore(%run_scoped3A : memref<!tpu.dma_semaphore, #tpu.memory_space<semaphore_mem>>) src(%dma_wait3A_33 : memref<56x128xi32, #tpu.memory_space<hbm>>) dst(%arg5 : memref<56x128xi32, #tpu.memory_space<vmem>>)
      tpu.yield
    }) : () -> ()
    %mul3A_1 = arith.constant 7168 : i32
    %mul3A_2 = arith.muli %add3A, %mul3A_1 : i32
    %scan3A = arith.constant 0 : i32
    %scan3A_3 = arith.constant 0 : i32
    %scan3A_4 = arith.constant 28 : i32
    %scan3A_5 = arith.addi %scan3A_3, %scan3A_4 : i32
    %scan3A_6 = arith.constant 1 : i32
    scf.for %scan3A_19 = %scan3A_3 to %scan3A_5 step %scan3A_6  : i32 {
      %mul3A_20 = arith.constant 2 : i32
      %mul3A_21 = arith.muli %scan3A_19, %mul3A_20 : i32
      %add3A_22 = arith.constant 0 : i32
      %add3A_23 = arith.addi %mul3A_21, %add3A_22 : i32
      %gt3A = arith.constant 0 : i32
      %gt3A_24 = arith.cmpi sgt, %scan3A_19, %gt3A : i32
      %convert_element_type3A = arith.extui %gt3A_24 : i1 to i32
      %cond3A = arith.constant 0 : i32
      %cond3A_25 = arith.cmpi ne, %convert_element_type3A, %cond3A : i32
      scf.if %cond3A_25 {
        %dma_wait3A_72 = arith.constant 0 : i32
        %dma_wait3A_73 = arith.constant 0 : i32
        %dma_wait3A_74 = tpu.memref_slice %arg4[%dma_wait3A_72, %dma_wait3A_73] : memref<229376x128xf32, #tpu.memory_space<hbm>> -> memref<128x128xf32, #tpu.memory_space<hbm>>
        %dma_wait3A_75 = arith.constant 0 : i32
        %dma_wait3A_76 = arith.constant 0 : i32
        %dma_wait3A_77 = tpu.memref_slice %arg4[%dma_wait3A_75, %dma_wait3A_76] : memref<229376x128xf32, #tpu.memory_space<hbm>> -> memref<128x128xf32, #tpu.memory_space<hbm>>
        tpu.wait_dma2 semaphore(%arg9 : memref<!tpu.dma_semaphore, #tpu.memory_space<semaphore_mem>>) src(%dma_wait3A_77 : memref<128x128xf32, #tpu.memory_space<hbm>>) dst(%arg6 : memref<128x128xf32, #tpu.memory_space<vmem>>)
      } else {
      }
      %dma_start3A = arith.constant 0 : i32
      %dma_start3A_26 = tpu.memref_slice %arg5[%add3A_23, %dma_start3A] : memref<56x128xi32, #tpu.memory_space<vmem>> -> memref<1x128xi32, #tpu.memory_space<vmem>>
      %dma_start3A_27 = tpu.memref_squeeze %dma_start3A_26 : memref<1x128xi32, #tpu.memory_space<vmem>> -> memref<128xi32, #tpu.memory_space<vmem>>
      %dma_start3A_28 = arith.constant 0 : i32
      %dma_start3A_29 = arith.constant 0 : i32
      %dma_start3A_30 = tpu.memref_slice %arg2[%dma_start3A_28, %dma_start3A_29] : memref<1000001x128xf32, #tpu.memory_space<hbm>> -> memref<1000001x128xf32, #tpu.memory_space<hbm>>
      tpu.enqueue_indirect_dma source(%dma_start3A_30 : memref<1000001x128xf32, #tpu.memory_space<hbm>>) target(%arg6 : memref<128x128xf32, #tpu.memory_space<vmem>>) offsets(%dma_start3A_27 : memref<128xi32, #tpu.memory_space<vmem>>) semaphore(%arg8 : memref<!tpu.dma_semaphore, #tpu.memory_space<semaphore_mem>>)
      %dma_wait3A_31 = arith.constant 0 : i32
      %dma_wait3A_32 = tpu.memref_slice %arg5[%add3A_23, %dma_wait3A_31] : memref<56x128xi32, #tpu.memory_space<vmem>> -> memref<1x128xi32, #tpu.memory_space<vmem>>
      %dma_wait3A_33 = tpu.memref_squeeze %dma_wait3A_32 : memref<1x128xi32, #tpu.memory_space<vmem>> -> memref<128xi32, #tpu.memory_space<vmem>>
      %dma_wait3A_34 = arith.constant 0 : i32
      %dma_wait3A_35 = arith.constant 0 : i32
      %dma_wait3A_36 = tpu.memref_slice %arg2[%dma_wait3A_34, %dma_wait3A_35] : memref<1000001x128xf32, #tpu.memory_space<hbm>> -> memref<1000001x128xf32, #tpu.memory_space<hbm>>
      tpu.wait_indirect_dma semaphore(%arg8 : memref<!tpu.dma_semaphore, #tpu.memory_space<semaphore_mem>>) src(%dma_wait3A_36 : memref<1000001x128xf32, #tpu.memory_space<hbm>>) dst(%arg6 : memref<128x128xf32, #tpu.memory_space<vmem>>)
      %mul3A_37 = arith.constant 128 : i32
      %mul3A_38 = arith.muli %add3A_23, %mul3A_37 : i32
      %add3A_39 = arith.addi %mul3A_2, %mul3A_38 : i32
      %dma_start3A_40 = arith.constant 0 : i32
      %dma_start3A_41 = tpu.memref_slice %arg4[%add3A_39, %dma_start3A_40] : memref<229376x128xf32, #tpu.memory_space<hbm>> -> memref<128x128xf32, #tpu.memory_space<hbm>>
      %dma_start3A_42 = arith.constant 0 : i32
      %dma_start3A_43 = tpu.memref_slice %arg4[%add3A_39, %dma_start3A_42] : memref<229376x128xf32, #tpu.memory_space<hbm>> -> memref<128x128xf32, #tpu.memory_space<hbm>>
      tpu.enqueue_dma source(%arg6 : memref<128x128xf32, #tpu.memory_space<vmem>>) target(%dma_start3A_43 : memref<128x128xf32, #tpu.memory_space<hbm>>) target_semaphore(%arg9 : memref<!tpu.dma_semaphore, #tpu.memory_space<semaphore_mem>>)
      %mul3A_44 = arith.constant 2 : i32
      %mul3A_45 = arith.muli %scan3A_19, %mul3A_44 : i32
      %add3A_46 = arith.constant 1 : i32
      %add3A_47 = arith.addi %mul3A_45, %add3A_46 : i32
      %gt3A_48 = arith.constant 0 : i32
      %gt3A_49 = arith.cmpi sgt, %scan3A_19, %gt3A_48 : i32
      %convert_element_type3A_50 = arith.extui %gt3A_49 : i1 to i32
      %cond3A_51 = arith.constant 0 : i32
      %cond3A_52 = arith.cmpi ne, %convert_element_type3A_50, %cond3A_51 : i32
      scf.if %cond3A_52 {
        %dma_wait3A_72 = arith.constant 0 : i32
        %dma_wait3A_73 = arith.constant 0 : i32
        %dma_wait3A_74 = tpu.memref_slice %arg4[%dma_wait3A_72, %dma_wait3A_73] : memref<229376x128xf32, #tpu.memory_space<hbm>> -> memref<128x128xf32, #tpu.memory_space<hbm>>
        %dma_wait3A_75 = arith.constant 0 : i32
        %dma_wait3A_76 = arith.constant 0 : i32
        %dma_wait3A_77 = tpu.memref_slice %arg4[%dma_wait3A_75, %dma_wait3A_76] : memref<229376x128xf32, #tpu.memory_space<hbm>> -> memref<128x128xf32, #tpu.memory_space<hbm>>
        tpu.wait_dma2 semaphore(%arg10 : memref<!tpu.dma_semaphore, #tpu.memory_space<semaphore_mem>>) src(%dma_wait3A_77 : memref<128x128xf32, #tpu.memory_space<hbm>>) dst(%arg7 : memref<128x128xf32, #tpu.memory_space<vmem>>)
      } else {
      }
      %dma_start3A_53 = arith.constant 0 : i32
      %dma_start3A_54 = tpu.memref_slice %arg5[%add3A_47, %dma_start3A_53] : memref<56x128xi32, #tpu.memory_space<vmem>> -> memref<1x128xi32, #tpu.memory_space<vmem>>
      %dma_start3A_55 = tpu.memref_squeeze %dma_start3A_54 : memref<1x128xi32, #tpu.memory_space<vmem>> -> memref<128xi32, #tpu.memory_space<vmem>>
      %dma_start3A_56 = arith.constant 0 : i32
      %dma_start3A_57 = arith.constant 0 : i32
      %dma_start3A_58 = tpu.memref_slice %arg2[%dma_start3A_56, %dma_start3A_57] : memref<1000001x128xf32, #tpu.memory_space<hbm>> -> memref<1000001x128xf32, #tpu.memory_space<hbm>>
      tpu.enqueue_indirect_dma source(%dma_start3A_58 : memref<1000001x128xf32, #tpu.memory_space<hbm>>) target(%arg7 : memref<128x128xf32, #tpu.memory_space<vmem>>) offsets(%dma_start3A_55 : memref<128xi32, #tpu.memory_space<vmem>>) semaphore(%arg8 : memref<!tpu.dma_semaphore, #tpu.memory_space<semaphore_mem>>)
      %dma_wait3A_59 = arith.constant 0 : i32
      %dma_wait3A_60 = tpu.memref_slice %arg5[%add3A_47, %dma_wait3A_59] : memref<56x128xi32, #tpu.memory_space<vmem>> -> memref<1x128xi32, #tpu.memory_space<vmem>>
      %dma_wait3A_61 = tpu.memref_squeeze %dma_wait3A_60 : memref<1x128xi32, #tpu.memory_space<vmem>> -> memref<128xi32, #tpu.memory_space<vmem>>
      %dma_wait3A_62 = arith.constant 0 : i32
      %dma_wait3A_63 = arith.constant 0 : i32
      %dma_wait3A_64 = tpu.memref_slice %arg2[%dma_wait3A_62, %dma_wait3A_63] : memref<1000001x128xf32, #tpu.memory_space<hbm>> -> memref<1000001x128xf32, #tpu.memory_space<hbm>>
      tpu.wait_indirect_dma semaphore(%arg8 : memref<!tpu.dma_semaphore, #tpu.memory_space<semaphore_mem>>) src(%dma_wait3A_64 : memref<1000001x128xf32, #tpu.memory_space<hbm>>) dst(%arg7 : memref<128x128xf32, #tpu.memory_space<vmem>>)
      %mul3A_65 = arith.constant 128 : i32
      %mul3A_66 = arith.muli %add3A_47, %mul3A_65 : i32
      %add3A_67 = arith.addi %mul3A_2, %mul3A_66 : i32
      %dma_start3A_68 = arith.constant 0 : i32
      %dma_start3A_69 = tpu.memref_slice %arg4[%add3A_67, %dma_start3A_68] : memref<229376x128xf32, #tpu.memory_space<hbm>> -> memref<128x128xf32, #tpu.memory_space<hbm>>
      %dma_start3A_70 = arith.constant 0 : i32
      %dma_start3A_71 = tpu.memref_slice %arg4[%add3A_67, %dma_start3A_70] : memref<229376x128xf32, #tpu.memory_space<hbm>> -> memref<128x128xf32, #tpu.memory_space<hbm>>
      tpu.enqueue_dma source(%arg7 : memref<128x128xf32, #tpu.memory_space<vmem>>) target(%dma_start3A_71 : memref<128x128xf32, #tpu.memory_space<hbm>>) target_semaphore(%arg10 : memref<!tpu.dma_semaphore, #tpu.memory_space<semaphore_mem>>)
    }
    %scan3A_7 = arith.constant 28 : i32
    %dma_wait3A = arith.constant 0 : i32
    %dma_wait3A_8 = arith.constant 0 : i32
    %dma_wait3A_9 = tpu.memref_slice %arg4[%dma_wait3A, %dma_wait3A_8] : memref<229376x128xf32, #tpu.memory_space<hbm>> -> memref<128x128xf32, #tpu.memory_space<hbm>>
    %dma_wait3A_10 = arith.constant 0 : i32
    %dma_wait3A_11 = arith.constant 0 : i32
    %dma_wait3A_12 = tpu.memref_slice %arg4[%dma_wait3A_10, %dma_wait3A_11] : memref<229376x128xf32, #tpu.memory_space<hbm>> -> memref<128x128xf32, #tpu.memory_space<hbm>>
    tpu.wait_dma2 semaphore(%arg9 : memref<!tpu.dma_semaphore, #tpu.memory_space<semaphore_mem>>) src(%dma_wait3A_12 : memref<128x128xf32, #tpu.memory_space<hbm>>) dst(%arg6 : memref<128x128xf32, #tpu.memory_space<vmem>>)
    %dma_wait3A_13 = arith.constant 0 : i32
    %dma_wait3A_14 = arith.constant 0 : i32
    %dma_wait3A_15 = tpu.memref_slice %arg4[%dma_wait3A_13, %dma_wait3A_14] : memref<229376x128xf32, #tpu.memory_space<hbm>> -> memref<128x128xf32, #tpu.memory_space<hbm>>
    %dma_wait3A_16 = arith.constant 0 : i32
    %dma_wait3A_17 = arith.constant 0 : i32
    %dma_wait3A_18 = tpu.memref_slice %arg4[%dma_wait3A_16, %dma_wait3A_17] : memref<229376x128xf32, #tpu.memory_space<hbm>> -> memref<128x128xf32, #tpu.memory_space<hbm>>
    tpu.wait_dma2 semaphore(%arg10 : memref<!tpu.dma_semaphore, #tpu.memory_space<semaphore_mem>>) src(%dma_wait3A_18 : memref<128x128xf32, #tpu.memory_space<hbm>>) dst(%arg7 : memref<128x128xf32, #tpu.memory_space<vmem>>)
    return
  }
}

module attributes {stable_mosaic.version = 14 : i64} {
  func.func @_tc_hop1_body(%arg0: i32, %arg1: memref<7168x128xf32, #tpu.memory_space<vmem>>, %arg2: memref<128x64xf32, #tpu.memory_space<vmem>>, %arg3: memref<64x1xf32, #tpu.memory_space<vmem>>, %arg4: memref<128x64xf32, #tpu.memory_space<vmem>>, %arg5: memref<128x64xf32, #tpu.memory_space<vmem>>) attributes {dimension_semantics = [#tpu.dimension_semantics<arbitrary>], iteration_bounds = array<i64: 32>, scalar_prefetch = 0 : i64, scratch_operands = 0 : i64, tpu.core_type = #tpu.core_type<tc>, window_params = [{transform_indices = @transform_0, window_bounds = array<i64: 7168, 128>}, {pipeline_mode = #tpu.pipeline_mode<synchronous>, transform_indices = @transform_1, window_bounds = array<i64: 128, 64>}, {pipeline_mode = #tpu.pipeline_mode<synchronous>, transform_indices = @transform_2, window_bounds = array<i64: 64, 1>}, {pipeline_mode = #tpu.pipeline_mode<synchronous>, transform_indices = @transform_3, window_bounds = array<i64: 128, 64>}, {transform_indices = @transform_4, window_bounds = array<i64: 128, 64>}]} {
    %get3A = arith.constant 0 : index
    %get3A_0 = arith.constant 0 : index
    %get3A_1 = vector.load %arg1[%get3A, %get3A_0] : memref<7168x128xf32, #tpu.memory_space<vmem>>, vector<7168x128xf32>
    %get3A_2 = arith.constant 0 : index
    %get3A_3 = arith.constant 0 : index
    %get3A_4 = vector.load %arg2[%get3A_2, %get3A_3] : memref<128x64xf32, #tpu.memory_space<vmem>>, vector<128x64xf32>
    %get3A_5 = arith.constant 0 : index
    %get3A_6 = arith.constant 0 : index
    %get3A_7 = vector.load %arg3[%get3A_5, %get3A_6] : memref<64x1xf32, #tpu.memory_space<vmem>>, vector<64x1xf32>
    %dot_general3A = arith.constant dense<0.000000e+00> : vector<7168x64xf32>
    %dot_general3A_8 = tpu.matmul %get3A_1, %get3A_4, %dot_general3A {dimension_numbers = #tpu.dot_dimension_numbers<[1], [0], [0], [1], [0, 0, 1, 1], [], []>, transpose_lhs_hint = false} : vector<7168x128xf32>, vector<128x64xf32>, vector<7168x64xf32> -> vector<7168x64xf32>
    %tanh3A = math.tanh %dot_general3A_8 : vector<7168x64xf32>
    %dot_general3A_9 = arith.constant dense<0.000000e+00> : vector<7168x1xf32>
    %dot_general3A_10 = tpu.matmul %tanh3A, %get3A_7, %dot_general3A_9 {dimension_numbers = #tpu.dot_dimension_numbers<[1], [0], [0], [1], [0, 0, 1, 1], [], []>, transpose_lhs_hint = false} : vector<7168x64xf32>, vector<64x1xf32>, vector<7168x1xf32> -> vector<7168x1xf32>
    %reshape3A = vector.shape_cast %dot_general3A_10 : vector<7168x1xf32> to vector<128x56x1xf32>
    %iota3A = tpu.iota {dimensions = array<i32: 1>} : vector<128x56x1xi32>
    %lt3A = arith.constant 50 : i32
    %lt3A_11 = vector.broadcast %lt3A : i32 to vector<128x56x1xi32>
    %lt3A_12 = arith.cmpi slt, %iota3A, %lt3A_11 : vector<128x56x1xi32>
    %jit3A = arith.constant -1.000000e+30 : f32
    %broadcast_in_dim3A = vector.broadcast %jit3A : f32 to vector<128x56x1xf32>
    %select_n3A = arith.select %lt3A_12, %reshape3A, %broadcast_in_dim3A : vector<128x56x1xi1>, vector<128x56x1xf32>
    %reduce_max3A = arith.constant dense<0xFF800000> : vector<128x1xf32>
    %reduce_max3A_13 = vector.multi_reduction <maximumf>, %select_n3A, %reduce_max3A [1] : vector<128x56x1xf32> to vector<128x1xf32>
    %broadcast_in_dim3A_14 = vector.shape_cast %reduce_max3A_13 : vector<128x1xf32> to vector<128x1x1xf32>
    %sub3A = vector.broadcast %broadcast_in_dim3A_14 : vector<128x1x1xf32> to vector<128x56x1xf32>
    %sub3A_15 = arith.subf %select_n3A, %sub3A : vector<128x56x1xf32>
    %exp3A = math.exp %sub3A_15 : vector<128x56x1xf32>
    %reduce_sum3A = arith.constant dense<0.000000e+00> : vector<128x1xf32>
    %reduce_sum3A_16 = vector.multi_reduction <add>, %exp3A, %reduce_sum3A [1] : vector<128x56x1xf32> to vector<128x1xf32>
    %broadcast_in_dim3A_17 = vector.shape_cast %reduce_sum3A_16 : vector<128x1xf32> to vector<128x1x1xf32>
    %div3A = vector.broadcast %broadcast_in_dim3A_17 : vector<128x1x1xf32> to vector<128x56x1xf32>
    %div3A_18 = arith.divf %exp3A, %div3A : vector<128x56x1xf32>
    %reshape3A_19 = vector.shape_cast %div3A_18 : vector<128x56x1xf32> to vector<7168x1xf32>
    %mul3A = vector.broadcast %reshape3A_19 : vector<7168x1xf32> to vector<7168x128xf32>
    %mul3A_20 = arith.mulf %get3A_1, %mul3A : vector<7168x128xf32>
    %reshape3A_21 = vector.shape_cast %mul3A_20 : vector<7168x128xf32> to vector<128x56x128xf32>
    %reduce_sum3A_22 = arith.constant dense<0.000000e+00> : vector<128x128xf32>
    %reduce_sum3A_23 = vector.multi_reduction <add>, %reshape3A_21, %reduce_sum3A_22 [1] : vector<128x56x128xf32> to vector<128x128xf32>
    %get3A_24 = arith.constant 0 : index
    %get3A_25 = arith.constant 0 : index
    %get3A_26 = vector.load %arg4[%get3A_24, %get3A_25] : memref<128x64xf32, #tpu.memory_space<vmem>>, vector<128x64xf32>
    %dot_general3A_27 = arith.constant dense<0.000000e+00> : vector<128x64xf32>
    %dot_general3A_28 = tpu.matmul %reduce_sum3A_23, %get3A_26, %dot_general3A_27 {dimension_numbers = #tpu.dot_dimension_numbers<[1], [0], [0], [1], [0, 0, 1, 1], [], []>, transpose_lhs_hint = false} : vector<128x128xf32>, vector<128x64xf32>, vector<128x64xf32> -> vector<128x64xf32>
    %swap3A = arith.constant 0 : index
    %swap3A_29 = arith.constant 0 : index
    %swap3A_30 = vector.load %arg5[%swap3A, %swap3A_29] : memref<128x64xf32, #tpu.memory_space<vmem>>, vector<128x64xf32>
    tpu.vector_store %arg5[%swap3A, %swap3A_29], %dot_general3A_28 {strides = array<i32>} : memref<128x64xf32, #tpu.memory_space<vmem>>, vector<128x64xf32>,
    return
  }
  func.func @transform_0(%arg0: i32) -> (i32, i32) {
    %c0_i32 = arith.constant 0 : i32
    %c0_i32_0 = arith.constant 0 : i32
    return %arg0, %c0_i32 : i32, i32
  }
  func.func @transform_1(%arg0: i32) -> (i32, i32) {
    %c0_i32 = arith.constant 0 : i32
    %c0_i32_0 = arith.constant 0 : i32
    %c0_i32_1 = arith.constant 0 : i32
    return %c0_i32, %c0_i32_0 : i32, i32
  }
  func.func @transform_2(%arg0: i32) -> (i32, i32) {
    %c0_i32 = arith.constant 0 : i32
    %c0_i32_0 = arith.constant 0 : i32
    %c0_i32_1 = arith.constant 0 : i32
    return %c0_i32, %c0_i32_0 : i32, i32
  }
  func.func @transform_3(%arg0: i32) -> (i32, i32) {
    %c0_i32 = arith.constant 0 : i32
    %c0_i32_0 = arith.constant 0 : i32
    %c0_i32_1 = arith.constant 0 : i32
    return %c0_i32, %c0_i32_0 : i32, i32
  }
  func.func @transform_4(%arg0: i32) -> (i32, i32) {
    %c0_i32 = arith.constant 0 : i32
    %c0_i32_0 = arith.constant 0 : i32
    return %arg0, %c0_i32 : i32, i32
  }
}

module attributes {stable_mosaic.version = 14 : i64} {
  func.func @_tc_hop2_body(%arg0: i32, %arg1: memref<7168x128xf32, #tpu.memory_space<vmem>>, %arg2: memref<128x128xf32, #tpu.memory_space<vmem>>, %arg3: memref<128x64xf32, #tpu.memory_space<vmem>>, %arg4: memref<128x64xf32, #tpu.memory_space<vmem>>, %arg5: memref<64x1xf32, #tpu.memory_space<vmem>>, %arg6: memref<128x64xf32, #tpu.memory_space<vmem>>, %arg7: memref<128x64xf32, #tpu.memory_space<vmem>>, %arg8: memref<128x64xf32, #tpu.memory_space<vmem>>) attributes {dimension_semantics = [#tpu.dimension_semantics<arbitrary>], iteration_bounds = array<i64: 32>, scalar_prefetch = 0 : i64, scratch_operands = 0 : i64, tpu.core_type = #tpu.core_type<tc>, window_params = [{transform_indices = @transform_0, window_bounds = array<i64: 7168, 128>}, {transform_indices = @transform_1, window_bounds = array<i64: 128, 128>}, {transform_indices = @transform_2, window_bounds = array<i64: 128, 64>}, {pipeline_mode = #tpu.pipeline_mode<synchronous>, transform_indices = @transform_3, window_bounds = array<i64: 128, 64>}, {pipeline_mode = #tpu.pipeline_mode<synchronous>, transform_indices = @transform_4, window_bounds = array<i64: 64, 1>}, {pipeline_mode = #tpu.pipeline_mode<synchronous>, transform_indices = @transform_5, window_bounds = array<i64: 128, 64>}, {pipeline_mode = #tpu.pipeline_mode<synchronous>, transform_indices = @transform_6, window_bounds = array<i64: 128, 64>}, {transform_indices = @transform_7, window_bounds = array<i64: 128, 64>}]} {
    %get3A = arith.constant 0 : index
    %get3A_0 = arith.constant 0 : index
    %get3A_1 = vector.load %arg1[%get3A, %get3A_0] : memref<7168x128xf32, #tpu.memory_space<vmem>>, vector<7168x128xf32>
    %get3A_2 = arith.constant 0 : index
    %get3A_3 = arith.constant 0 : index
    %get3A_4 = vector.load %arg4[%get3A_2, %get3A_3] : memref<128x64xf32, #tpu.memory_space<vmem>>, vector<128x64xf32>
    %get3A_5 = arith.constant 0 : index
    %get3A_6 = arith.constant 0 : index
    %get3A_7 = vector.load %arg5[%get3A_5, %get3A_6] : memref<64x1xf32, #tpu.memory_space<vmem>>, vector<64x1xf32>
    %dot_general3A = arith.constant dense<0.000000e+00> : vector<7168x64xf32>
    %dot_general3A_8 = tpu.matmul %get3A_1, %get3A_4, %dot_general3A {dimension_numbers = #tpu.dot_dimension_numbers<[1], [0], [0], [1], [0, 0, 1, 1], [], []>, transpose_lhs_hint = false} : vector<7168x128xf32>, vector<128x64xf32>, vector<7168x64xf32> -> vector<7168x64xf32>
    %tanh3A = math.tanh %dot_general3A_8 : vector<7168x64xf32>
    %dot_general3A_9 = arith.constant dense<0.000000e+00> : vector<7168x1xf32>
    %dot_general3A_10 = tpu.matmul %tanh3A, %get3A_7, %dot_general3A_9 {dimension_numbers = #tpu.dot_dimension_numbers<[1], [0], [0], [1], [0, 0, 1, 1], [], []>, transpose_lhs_hint = false} : vector<7168x64xf32>, vector<64x1xf32>, vector<7168x1xf32> -> vector<7168x1xf32>
    %reshape3A = vector.shape_cast %dot_general3A_10 : vector<7168x1xf32> to vector<128x56x1xf32>
    %iota3A = tpu.iota {dimensions = array<i32: 1>} : vector<128x56x1xi32>
    %lt3A = arith.constant 50 : i32
    %lt3A_11 = vector.broadcast %lt3A : i32 to vector<128x56x1xi32>
    %lt3A_12 = arith.cmpi slt, %iota3A, %lt3A_11 : vector<128x56x1xi32>
    %jit3A = arith.constant -1.000000e+30 : f32
    %broadcast_in_dim3A = vector.broadcast %jit3A : f32 to vector<128x56x1xf32>
    %select_n3A = arith.select %lt3A_12, %reshape3A, %broadcast_in_dim3A : vector<128x56x1xi1>, vector<128x56x1xf32>
    %reduce_max3A = arith.constant dense<0xFF800000> : vector<128x1xf32>
    %reduce_max3A_13 = vector.multi_reduction <maximumf>, %select_n3A, %reduce_max3A [1] : vector<128x56x1xf32> to vector<128x1xf32>
    %broadcast_in_dim3A_14 = vector.shape_cast %reduce_max3A_13 : vector<128x1xf32> to vector<128x1x1xf32>
    %sub3A = vector.broadcast %broadcast_in_dim3A_14 : vector<128x1x1xf32> to vector<128x56x1xf32>
    %sub3A_15 = arith.subf %select_n3A, %sub3A : vector<128x56x1xf32>
    %exp3A = math.exp %sub3A_15 : vector<128x56x1xf32>
    %reduce_sum3A = arith.constant dense<0.000000e+00> : vector<128x1xf32>
    %reduce_sum3A_16 = vector.multi_reduction <add>, %exp3A, %reduce_sum3A [1] : vector<128x56x1xf32> to vector<128x1xf32>
    %broadcast_in_dim3A_17 = vector.shape_cast %reduce_sum3A_16 : vector<128x1xf32> to vector<128x1x1xf32>
    %div3A = vector.broadcast %broadcast_in_dim3A_17 : vector<128x1x1xf32> to vector<128x56x1xf32>
    %div3A_18 = arith.divf %exp3A, %div3A : vector<128x56x1xf32>
    %reshape3A_19 = vector.shape_cast %div3A_18 : vector<128x56x1xf32> to vector<7168x1xf32>
    %mul3A = vector.broadcast %reshape3A_19 : vector<7168x1xf32> to vector<7168x128xf32>
    %mul3A_20 = arith.mulf %get3A_1, %mul3A : vector<7168x128xf32>
    %reshape3A_21 = vector.shape_cast %mul3A_20 : vector<7168x128xf32> to vector<128x56x128xf32>
    %reduce_sum3A_22 = arith.constant dense<0.000000e+00> : vector<128x128xf32>
    %reduce_sum3A_23 = vector.multi_reduction <add>, %reshape3A_21, %reduce_sum3A_22 [1] : vector<128x56x128xf32> to vector<128x128xf32>
    %get3A_24 = arith.constant 0 : index
    %get3A_25 = arith.constant 0 : index
    %get3A_26 = vector.load %arg6[%get3A_24, %get3A_25] : memref<128x64xf32, #tpu.memory_space<vmem>>, vector<128x64xf32>
    %dot_general3A_27 = arith.constant dense<0.000000e+00> : vector<128x64xf32>
    %dot_general3A_28 = tpu.matmul %reduce_sum3A_23, %get3A_26, %dot_general3A_27 {dimension_numbers = #tpu.dot_dimension_numbers<[1], [0], [0], [1], [0, 0, 1, 1], [], []>, transpose_lhs_hint = false} : vector<128x128xf32>, vector<128x64xf32>, vector<128x64xf32> -> vector<128x64xf32>
    %get3A_29 = arith.constant 0 : index
    %get3A_30 = arith.constant 0 : index
    %get3A_31 = vector.load %arg2[%get3A_29, %get3A_30] : memref<128x128xf32, #tpu.memory_space<vmem>>, vector<128x128xf32>
    %get3A_32 = arith.constant 0 : index
    %get3A_33 = arith.constant 0 : index
    %get3A_34 = vector.load %arg7[%get3A_32, %get3A_33] : memref<128x64xf32, #tpu.memory_space<vmem>>, vector<128x64xf32>
    %dot_general3A_35 = arith.constant dense<0.000000e+00> : vector<128x64xf32>
    %dot_general3A_36 = tpu.matmul %get3A_31, %get3A_34, %dot_general3A_35 {dimension_numbers = #tpu.dot_dimension_numbers<[1], [0], [0], [1], [0, 0, 1, 1], [], []>, transpose_lhs_hint = false} : vector<128x128xf32>, vector<128x64xf32>, vector<128x64xf32> -> vector<128x64xf32>
    %add3A = arith.addf %dot_general3A_28, %dot_general3A_36 : vector<128x64xf32>
    %get3A_37 = arith.constant 0 : index
    %get3A_38 = arith.constant 0 : index
    %get3A_39 = vector.load %arg3[%get3A_37, %get3A_38] : memref<128x64xf32, #tpu.memory_space<vmem>>, vector<128x64xf32>
    %add3A_40 = arith.addf %add3A, %get3A_39 : vector<128x64xf32>
    %swap3A = arith.constant 0 : index
    %swap3A_41 = arith.constant 0 : index
    %swap3A_42 = vector.load %arg8[%swap3A, %swap3A_41] : memref<128x64xf32, #tpu.memory_space<vmem>>, vector<128x64xf32>
    tpu.vector_store %arg8[%swap3A, %swap3A_41], %add3A_40 {strides = array<i32>} : memref<128x64xf32, #tpu.memory_space<vmem>>, vector<128x64xf32>,
    return
  }
  func.func @transform_0(%arg0: i32) -> (i32, i32) {
    %c0_i32 = arith.constant 0 : i32
    %c0_i32_0 = arith.constant 0 : i32
    return %arg0, %c0_i32 : i32, i32
  }
  func.func @transform_1(%arg0: i32) -> (i32, i32) {
    %c0_i32 = arith.constant 0 : i32
    %c0_i32_0 = arith.constant 0 : i32
    return %arg0, %c0_i32 : i32, i32
  }
  func.func @transform_2(%arg0: i32) -> (i32, i32) {
    %c0_i32 = arith.constant 0 : i32
    %c0_i32_0 = arith.constant 0 : i32
    return %arg0, %c0_i32 : i32, i32
  }
  func.func @transform_3(%arg0: i32) -> (i32, i32) {
    %c0_i32 = arith.constant 0 : i32
    %c0_i32_0 = arith.constant 0 : i32
    %c0_i32_1 = arith.constant 0 : i32
    return %c0_i32, %c0_i32_0 : i32, i32
  }
  func.func @transform_4(%arg0: i32) -> (i32, i32) {
    %c0_i32 = arith.constant 0 : i32
    %c0_i32_0 = arith.constant 0 : i32
    %c0_i32_1 = arith.constant 0 : i32
    return %c0_i32, %c0_i32_0 : i32, i32
  }
  func.func @transform_5(%arg0: i32) -> (i32, i32) {
    %c0_i32 = arith.constant 0 : i32
    %c0_i32_0 = arith.constant 0 : i32
    %c0_i32_1 = arith.constant 0 : i32
    return %c0_i32, %c0_i32_0 : i32, i32
  }
  func.func @transform_6(%arg0: i32) -> (i32, i32) {
    %c0_i32 = arith.constant 0 : i32
    %c0_i32_0 = arith.constant 0 : i32
    %c0_i32_1 = arith.constant 0 : i32
    return %c0_i32, %c0_i32_0 : i32, i32
  }
  func.func @transform_7(%arg0: i32) -> (i32, i32) {
    %c0_i32 = arith.constant 0 : i32
    %c0_i32_0 = arith.constant 0 : i32
    return %arg0, %c0_i32 : i32, i32
  }
}

module attributes {stable_mosaic.version = 14 : i64} {
  func.func @_tc_hop3_body(%arg0: i32, %arg1: memref<7168x128xf32, #tpu.memory_space<vmem>>, %arg2: memref<128x64xf32, #tpu.memory_space<vmem>>, %arg3: memref<128x64xf32, #tpu.memory_space<vmem>>, %arg4: memref<64x1xf32, #tpu.memory_space<vmem>>, %arg5: memref<128x64xf32, #tpu.memory_space<vmem>>, %arg6: memref<128x64xf32, #tpu.memory_space<vmem>>) attributes {dimension_semantics = [#tpu.dimension_semantics<arbitrary>], iteration_bounds = array<i64: 32>, scalar_prefetch = 0 : i64, scratch_operands = 0 : i64, tpu.core_type = #tpu.core_type<tc>, window_params = [{transform_indices = @transform_0, window_bounds = array<i64: 7168, 128>}, {transform_indices = @transform_1, window_bounds = array<i64: 128, 64>}, {pipeline_mode = #tpu.pipeline_mode<synchronous>, transform_indices = @transform_2, window_bounds = array<i64: 128, 64>}, {pipeline_mode = #tpu.pipeline_mode<synchronous>, transform_indices = @transform_3, window_bounds = array<i64: 64, 1>}, {pipeline_mode = #tpu.pipeline_mode<synchronous>, transform_indices = @transform_4, window_bounds = array<i64: 128, 64>}, {transform_indices = @transform_5, window_bounds = array<i64: 128, 64>}]} {
    %get3A = arith.constant 0 : index
    %get3A_0 = arith.constant 0 : index
    %get3A_1 = vector.load %arg1[%get3A, %get3A_0] : memref<7168x128xf32, #tpu.memory_space<vmem>>, vector<7168x128xf32>
    %get3A_2 = arith.constant 0 : index
    %get3A_3 = arith.constant 0 : index
    %get3A_4 = vector.load %arg3[%get3A_2, %get3A_3] : memref<128x64xf32, #tpu.memory_space<vmem>>, vector<128x64xf32>
    %get3A_5 = arith.constant 0 : index
    %get3A_6 = arith.constant 0 : index
    %get3A_7 = vector.load %arg4[%get3A_5, %get3A_6] : memref<64x1xf32, #tpu.memory_space<vmem>>, vector<64x1xf32>
    %dot_general3A = arith.constant dense<0.000000e+00> : vector<7168x64xf32>
    %dot_general3A_8 = tpu.matmul %get3A_1, %get3A_4, %dot_general3A {dimension_numbers = #tpu.dot_dimension_numbers<[1], [0], [0], [1], [0, 0, 1, 1], [], []>, transpose_lhs_hint = false} : vector<7168x128xf32>, vector<128x64xf32>, vector<7168x64xf32> -> vector<7168x64xf32>
    %tanh3A = math.tanh %dot_general3A_8 : vector<7168x64xf32>
    %dot_general3A_9 = arith.constant dense<0.000000e+00> : vector<7168x1xf32>
    %dot_general3A_10 = tpu.matmul %tanh3A, %get3A_7, %dot_general3A_9 {dimension_numbers = #tpu.dot_dimension_numbers<[1], [0], [0], [1], [0, 0, 1, 1], [], []>, transpose_lhs_hint = false} : vector<7168x64xf32>, vector<64x1xf32>, vector<7168x1xf32> -> vector<7168x1xf32>
    %reshape3A = vector.shape_cast %dot_general3A_10 : vector<7168x1xf32> to vector<128x56x1xf32>
    %iota3A = tpu.iota {dimensions = array<i32: 1>} : vector<128x56x1xi32>
    %lt3A = arith.constant 50 : i32
    %lt3A_11 = vector.broadcast %lt3A : i32 to vector<128x56x1xi32>
    %lt3A_12 = arith.cmpi slt, %iota3A, %lt3A_11 : vector<128x56x1xi32>
    %jit3A = arith.constant -1.000000e+30 : f32
    %broadcast_in_dim3A = vector.broadcast %jit3A : f32 to vector<128x56x1xf32>
    %select_n3A = arith.select %lt3A_12, %reshape3A, %broadcast_in_dim3A : vector<128x56x1xi1>, vector<128x56x1xf32>
    %reduce_max3A = arith.constant dense<0xFF800000> : vector<128x1xf32>
    %reduce_max3A_13 = vector.multi_reduction <maximumf>, %select_n3A, %reduce_max3A [1] : vector<128x56x1xf32> to vector<128x1xf32>
    %broadcast_in_dim3A_14 = vector.shape_cast %reduce_max3A_13 : vector<128x1xf32> to vector<128x1x1xf32>
    %sub3A = vector.broadcast %broadcast_in_dim3A_14 : vector<128x1x1xf32> to vector<128x56x1xf32>
    %sub3A_15 = arith.subf %select_n3A, %sub3A : vector<128x56x1xf32>
    %exp3A = math.exp %sub3A_15 : vector<128x56x1xf32>
    %reduce_sum3A = arith.constant dense<0.000000e+00> : vector<128x1xf32>
    %reduce_sum3A_16 = vector.multi_reduction <add>, %exp3A, %reduce_sum3A [1] : vector<128x56x1xf32> to vector<128x1xf32>
    %broadcast_in_dim3A_17 = vector.shape_cast %reduce_sum3A_16 : vector<128x1xf32> to vector<128x1x1xf32>
    %div3A = vector.broadcast %broadcast_in_dim3A_17 : vector<128x1x1xf32> to vector<128x56x1xf32>
    %div3A_18 = arith.divf %exp3A, %div3A : vector<128x56x1xf32>
    %reshape3A_19 = vector.shape_cast %div3A_18 : vector<128x56x1xf32> to vector<7168x1xf32>
    %mul3A = vector.broadcast %reshape3A_19 : vector<7168x1xf32> to vector<7168x128xf32>
    %mul3A_20 = arith.mulf %get3A_1, %mul3A : vector<7168x128xf32>
    %reshape3A_21 = vector.shape_cast %mul3A_20 : vector<7168x128xf32> to vector<128x56x128xf32>
    %reduce_sum3A_22 = arith.constant dense<0.000000e+00> : vector<128x128xf32>
    %reduce_sum3A_23 = vector.multi_reduction <add>, %reshape3A_21, %reduce_sum3A_22 [1] : vector<128x56x128xf32> to vector<128x128xf32>
    %get3A_24 = arith.constant 0 : index
    %get3A_25 = arith.constant 0 : index
    %get3A_26 = vector.load %arg5[%get3A_24, %get3A_25] : memref<128x64xf32, #tpu.memory_space<vmem>>, vector<128x64xf32>
    %dot_general3A_27 = arith.constant dense<0.000000e+00> : vector<128x64xf32>
    %dot_general3A_28 = tpu.matmul %reduce_sum3A_23, %get3A_26, %dot_general3A_27 {dimension_numbers = #tpu.dot_dimension_numbers<[1], [0], [0], [1], [0, 0, 1, 1], [], []>, transpose_lhs_hint = false} : vector<128x128xf32>, vector<128x64xf32>, vector<128x64xf32> -> vector<128x64xf32>
    %get3A_29 = arith.constant 0 : index
    %get3A_30 = arith.constant 0 : index
    %get3A_31 = vector.load %arg2[%get3A_29, %get3A_30] : memref<128x64xf32, #tpu.memory_space<vmem>>, vector<128x64xf32>
    %add3A = arith.addf %dot_general3A_28, %get3A_31 : vector<128x64xf32>
    %tanh3A_32 = math.tanh %add3A : vector<128x64xf32>
    %swap3A = arith.constant 0 : index
    %swap3A_33 = arith.constant 0 : index
    %swap3A_34 = vector.load %arg6[%swap3A, %swap3A_33] : memref<128x64xf32, #tpu.memory_space<vmem>>, vector<128x64xf32>
    tpu.vector_store %arg6[%swap3A, %swap3A_33], %tanh3A_32 {strides = array<i32>} : memref<128x64xf32, #tpu.memory_space<vmem>>, vector<128x64xf32>,
    return
  }
  func.func @transform_0(%arg0: i32) -> (i32, i32) {
    %c0_i32 = arith.constant 0 : i32
    %c0_i32_0 = arith.constant 0 : i32
    return %arg0, %c0_i32 : i32, i32
  }
  func.func @transform_1(%arg0: i32) -> (i32, i32) {
    %c0_i32 = arith.constant 0 : i32
    %c0_i32_0 = arith.constant 0 : i32
    return %arg0, %c0_i32 : i32, i32
  }
  func.func @transform_2(%arg0: i32) -> (i32, i32) {
    %c0_i32 = arith.constant 0 : i32
    %c0_i32_0 = arith.constant 0 : i32
    %c0_i32_1 = arith.constant 0 : i32
    return %c0_i32, %c0_i32_0 : i32, i32
  }
  func.func @transform_3(%arg0: i32) -> (i32, i32) {
    %c0_i32 = arith.constant 0 : i32
    %c0_i32_0 = arith.constant 0 : i32
    %c0_i32_1 = arith.constant 0 : i32
    return %c0_i32, %c0_i32_0 : i32, i32
  }
  func.func @transform_4(%arg0: i32) -> (i32, i32) {
    %c0_i32 = arith.constant 0 : i32
    %c0_i32_0 = arith.constant 0 : i32
    %c0_i32_1 = arith.constant 0 : i32
    return %c0_i32, %c0_i32_0 : i32, i32
  }
  func.func @transform_5(%arg0: i32) -> (i32, i32) {
    %c0_i32 = arith.constant 0 : i32
    %c0_i32_0 = arith.constant 0 : i32
    return %arg0, %c0_i32 : i32, i32
  }
}

</mosaic_0001>

<sc_bundles>
// kernel: kernel.11.cloned.1.call-start
scs
__scs_entry_jumppad:
0x0: {  	(pc) =	sbr.rel $0x88, $3  }
0x1: {  	(tag) =	ssettag $0x0;
	lr =	simm.s32 $0x1  }
0x2: {  	[smem:$0x3F98] =	sst lr;
	_ =	strace $0xD0000000  }
0x3: {  	_ = 	snop  }
0x4: {  	_ = 	snop  }
0x5: {  	_ = 	snop  }
0x6: {  	_ = 	snop  }
0x7: {  	_ = 	snop  }
__scs_overlays_trampoline_lowered:
0x8: {  	[smem:$0x3FA7] =	sst s0  }
0x9: {  	[smem:$0x3FA8] =	sst s1  }
0xa: {  	[smem:$0x3FA9] =	sst s2  }
0xb: {  	[smem:$0x3FAA] =	sst s3  }
0xc: {  	[smem:$0x3FAB] =	sst s4  }
0xd: {  	[smem:$0x3FAC] =	sst s5  }
0xe: {  	[smem:$0x3FAD] =	sst s6  }
0xf: {  	[smem:$0x3FAE] =	sst s7  }
0x10: {  	[smem:$0x3FAF] =	sst s8  }
0x11: {  	[smem:$0x3FB0] =	sst s9;
	s0 =	simm.s32 @!p0 $0x0  }
0x12: {  	s1 =	sld [smem:$0x3F96];
	s0 =	simm.s32 @p0 $0x1  }
0x13: {  	[smem:$0x3FB1] =	sst s0;
	s0 =	simm.s32 @!p1 $0x0  }
0x14: {  	s2 =	sld [smem:$0x3F95];
	s0 =	simm.s32 @p1 $0x1  }
0x15: {  	[smem:$0x3FB2] =	sst s0;
	s0 =	simm.s32 @!p2 $0x0  }
0x16: {  	s3 =	sld [smem:$0x3FDB];
	s0 =	simm.s32 @p2 $0x1  }
0x17: {  	s4 =	simm.s32 $0x1BF5;
	[smem:$0x3FB4] =	sst s0  }
0x18: {  	s0 =	sld [smem:$0x3F97];
	_ =	swait.ge [sflag:s4], $0x0  }
0x19: {  	s7 =	sld [smem:$0x3F98]  }
0x1a: {  	s8 =	sadd.s32 $0xFFFFE003, lr  }
0x1b: {  	s9 =	sadd.s32 $0xFFFFFEF7, lr;
	s5 =	simm.s32 $0xFFFFFFFF;
	p2 =	slt.u32 s8, $0xFFFFF086  }
0x1c: {  	p1 =	slt.u32 s9, $0xF7A;
	s5 =	simm.s32 @!p2 $0x0  }
0x1d: {  	s5 =	simm.s32 @p1 $0x1;
	p0 =	seq.s32 s7, s2  }
0x1e: {  	s7 =	smul.u32 @!p0 $0xF7A, s2;
	p2 =	seq.s32 @!p0 s5, $0x0  }
0x1f: {  	s9 =	smul.u32 $0xF7A, s1;
	s8 =	simm.s32 @!p0 $0x1BF5;
	p2 =	por !p2, p0  }
0x20: {  	[sflag:s8] =	ssyncset.s32 @!p0 $0xFFFFF086;
	s6 =	sadd.s32 @!p0 s3, s7;
	s7 =	simm.s32 @!p0 $0x108  }
0x21: {  	s3 =	sadd.s32 s3, s9;
	s6 =	sadd.s32 @!p0 $0x88, s6;
	s7 =	simm.s32 @p2 $0x1082  }
0x22: {  	[simem:s7], [sflag:s8] =	dma.local @!p0 [hbm:s6], $0xF7A  }
0x23: {  	s9 =	sor.u32 $0xD0000000, s2;
	s6 =	simm.s32 $0x108;
	_ =	swait.ge @!p0 [sflag:s8], $0x0  }
0x24: {  	s3 =	sadd.s32 $0x88, s3;
	s6 =	simm.s32 @!p1 $0x1082;
	[sflag:s4] =	ssyncset.s32 $0xFFFFF086  }
0x25: {  	[simem:s6], [sflag:s4] =	dma.local [hbm:s3], $0xF7A  }
0x26: {  	[smem:$0x3F98] =	sst s1;
	(tag) =	ssettag s2;
	_ =	strace s9  }
0x27: {  	s1 =	sld [smem:$0x3FA8]  }
0x28: {  	s2 =	sld [smem:$0x3FA9]  }
0x29: {  	s4 =	sld [smem:$0x3FAB]  }
0x2a: {  	p0 =	seq.s32 s5, $0x0;
	s5 =	sld [smem:$0x3FAC]  }
0x2b: {  	s6 =	sld [smem:$0x3FAD]  }
0x2c: {  	s7 =	sld [smem:$0x3FAE]  }
0x2d: {  	s3 =	simm.s32 $0x108;
	s8 =	sld [smem:$0x3FAF]  }
0x2e: {  	s3 =	simm.s32 @!p0 $0x1082;
	s9 =	sld [smem:$0x3FB0]  }
0x2f: {  	lr =	sadd.s32 s0, s3;
	s0 =	sld [smem:$0x3FA7]  }
0x30: {  	s3 =	sld [smem:$0x3FAA]  }
0x31: {  	[smem:$0x3FB3] =	sst s10  }
0x32: {  	s10 =	sld [smem:$0x3FB1];
	_ =	sdelay $0x3  }
0x33: {  	p0 =	seq.s32 s10, $0x1;
	s10 =	sld [smem:$0x3FB3];
	_ =	sdelay $0x3  }
0x34: {  	[smem:$0x3FB3] =	sst s10  }
0x35: {  	s10 =	sld [smem:$0x3FB2];
	_ =	sdelay $0x3  }
0x36: {  	p1 =	seq.s32 s10, $0x1;
	s10 =	sld [smem:$0x3FB3];
	_ =	sdelay $0x3  }
0x37: {  	[smem:$0x3FB3] =	sst s10  }
0x38: {  	s10 =	sld [smem:$0x3FB4]  }
0x39: {  	_ = 	snop;
	(pc) =	sbr.ind lr, $3  }
0x3a: {  	_ = 	snop  }
0x3b: {  	_ = 	snop  }
0x3c: {  	p2 =	seq.s32 s10, $0x1;
	s10 =	sld [smem:$0x3FB3]  }
0x3d: {  	_ =	shalt  }
0x3e: {  	_ =	shalt  }
0x3f: {  	_ =	shalt  }
0x40: {  	_ =	shalt  }
0x41: {  	_ =	shalt  }
0x42: {  	_ =	shalt  }
0x43: {  	_ =	shalt  }
0x44: {  	_ =	shalt  }
0x45: {  	_ =	shalt  }
0x46: {  	_ =	shalt  }
0x47: {  	_ =	shalt  }
0x48: {  	_ =	shalt  }
0x49: {  	_ =	shalt  }
0x4a: {  	_ =	shalt  }
0x4b: {  	_ =	shalt  }
0x4c: {  	_ =	shalt  }
0x4d: {  	_ =	shalt  }
0x4e: {  	_ =	shalt  }
0x4f: {  	_ =	shalt  }
0x50: {  	_ =	shalt  }
0x51: {  	_ =	shalt  }
0x52: {  	_ =	shalt  }
0x53: {  	_ =	shalt  }
0x54: {  	_ =	shalt  }
0x55: {  	_ =	shalt  }
0x56: {  	_ =	shalt  }
0x57: {  	_ =	shalt  }
0x58: {  	_ =	shalt  }
0x59: {  	_ =	shalt  }
0x5a: {  	_ =	shalt  }
0x5b: {  	_ =	shalt  }
0x5c: {  	_ =	shalt  }
0x5d: {  	_ =	shalt  }
0x5e: {  	_ =	shalt  }
0x5f: {  	_ =	shalt  }
0x60: {  	_ =	shalt  }
0x61: {  	_ =	shalt  }
0x62: {  	_ =	shalt  }
0x63: {  	_ =	shalt  }
0x64: {  	_ =	shalt  }
0x65: {  	_ =	shalt  }
0x66: {  	_ =	shalt  }
0x67: {  	_ =	shalt  }
0x68: {  	_ =	shalt  }
0x69: {  	_ =	shalt  }
0x6a: {  	_ =	shalt  }
0x6b: {  	_ =	shalt  }
0x6c: {  	_ =	shalt  }
0x6d: {  	_ =	shalt  }
0x6e: {  	_ =	shalt  }
0x6f: {  	_ =	shalt  }
0x70: {  	_ =	shalt  }
0x71: {  	_ =	shalt  }
0x72: {  	_ =	shalt  }
0x73: {  	_ =	shalt  }
0x74: {  	_ =	shalt  }
0x75: {  	_ =	shalt  }
0x76: {  	_ =	shalt  }
0x77: {  	_ =	shalt  }
0x78: {  	_ =	shalt  }
0x79: {  	_ =	shalt  }
0x7a: {  	_ =	shalt  }
0x7b: {  	_ =	shalt  }
0x7c: {  	_ =	shalt  }
0x7d: {  	_ =	shalt  }
0x7e: {  	_ =	shalt  }
0x7f: {  	_ =	shalt  }
0x80: {  	_ =	shalt  }
0x81: {  	_ =	shalt  }
0x82: {  	_ =	shalt  }
0x83: {  	_ =	shalt  }
0x84: {  	_ =	shalt  }
0x85: {  	_ =	shalt  }
0x86: {  	_ =	shalt  }
0x87: {  	_ =	shalt  }
.Lfunc_end0:
.L_simem_size_0:
called_computation.1_lowered:
.L_overlay_start_0:
0x88: {  	s2 =	sld [smem:$0x3FD9]  }
0x89: {  	s3 =	sld [smem:$0x3FFE];
	_ =	sdelay $0x1  }
0x8a: {  	s1 =	srdreg.scid  }
0x8b: {  	s0 =	sand.u32 $0x1, s1  }
0x8c: {  	s17 =	sshll.u32 s0, $0xA;
	s2 =	sadd.s32 s3, s2  }
0x8d: {  	s2 =	sadd.s32 s2, s17  }
0x8e: {  	[smem:$0x3FBF] =	sst s2  }
0x8f: {  	_ = 	snop  }
0x90: {  	s18 =	sld [smem:$0x3FC9];
	(tm) =	ssettm $0x1  }
0x91: {  	s19 =	sld [smem:$0x3FFB];
	_ =	sdelay $0x3  }
0x92: {  	_ =	strace s19  }
0x93: {  	s2 =	sld [smem:$0x3FFC];
	_ =	sdelay $0x3  }
0x94: {  	_ =	strace s2  }
0x95: {  	s2 =	sld [smem:$0x3FFD];
	_ =	sdelay $0x3  }
0x96: {  	_ =	strace s2  }
0x97: {  	_ =	strace $0x8FFFFFFF  }
0x98: {  	s20 =	sld [smem:$0x3FDB];
	_ =	sdelay $0x1  }
0x99: {  	s4 =	simm.s32 $_scs_section_size  }
0x9a: {  	s5 =	simm.s32 $_size__tile_overlayer_lowered;
	s6 =	simm.s32 $_tile_overlayer_lowered  }
0x9b: {  	s7 =	simm.s32 $0x1BFF;
	s21 =	sshll.u32 s6, $0x1;
	s4 =	sadd.s32 s4, s20  }
0x9c: {  	s22 =	simm.s32 $0x0;
	s5 =	sshll.u32 s5, $0x1;
	s6 =	sadd.s32 s21, s4  }
0x9d: {  	[timem:s22], [sflag:s7] =	dma.local [hbm:s6], s5  }
0x9e: {  	_ =	swait.ge [sflag:s7], s5  }
0x9f: {  	s5 =	ssub.s32 $0x0, s5;
	[sflag:s7] =	ssyncset.done $0x0  }
0xa0: {  	[sflag:s7] =	ssyncadd.s32 s5;
	_ =	sdelay $0x1  }
0xa1: {  	s23 =	simm.s32 $0x1B8B  }
0xa2: {  	_ =	swait.ge [sflag:s23], $0x1  }
0xa3: {  	[sflag:s23] =	ssyncset.done $0x0  }
0xa4: {  	[sflag:s23] =	ssyncadd.s32 $0xFFFFFFFF  }
0xa5: {  	s5 =	sld [smem:$0x0]  }
0xa6: {  	s6 =	sand.u32 $0xFFFFFFFE, s1  }
0xa7: {  	p0 =	sne.s32 s1, s6  }
0xa8: {  	s6 =	sshll.u32 @p0 s6, $0xE  }
0xa9: {  	s6 =	sadd.s32 @p0 $0x11B8D, s6;
	s7 =	sshll.u32 @p0 s5, $0x11  }
0xaa: {  	s6 =	sor.u32 @p0 s7, s6  }
0xab: {  	[sflag:s6] =	ssyncadd.remote.s32 @p0 $0x1;
	_ =	sdelay $0x1  }
0xac: {  	s6 =	simm.s32 @p0 $0x1B8D  }
0xad: {  	_ =	swait.eq @p0 [sflag:s6], $0x1  }
0xae: {  	[sflag:s6] =	ssyncadd.s32 @p0 $0xFFFFFFFF  }
0xaf: {  	s7 =	sshll.u32 @!p0 s1, $0xE  }
0xb0: {  	s7 =	sor.u32 @!p0 $0x4000, s7;
	s6 =	simm.s32 @!p0 $0x1B8D  }
0xb1: {  	s5 =	sshll.u32 @!p0 s5, $0x11;
	s7 =	sadd.s32 @!p0 $0x11B8D, s7;
	_ =	swait.eq @!p0 [sflag:s6], $0x1  }
0xb2: {  	s5 =	sor.u32 @!p0 s5, s7;
	[sflag:s6] =	ssyncadd.s32 @!p0 $0xFFFFFFFF  }
0xb3: {  	s25 =	simm.s32 $0x1B8E;
	s24 =	sld [smem:$0x3FFE];
	[sflag:s5] =	ssyncadd.remote.s32 @!p0 $0x1  }
0xb4: {  	s26 =	simm.s32 $execute0_lowered;
	[smem:$0x3FD2] =	sst s25  }
0xb5: {  	s6 =	sshll.u32 s26, $0x1;
	_ =	strace $0x80000049;
	[dreg:$0x1] =	wrdreg $0xFFFFFFFF  }
0xb6: {  	s28 =	simm.s32 $_size_execute0_lowered;
	s4 =	sadd.s32 s4, s6;
	[dreg:$0x0] =	wrdreg $0x0  }
0xb7: {  	s6 =	sshll.u32 s28, $0x1;
	[dreg:$0x2] =	wrdreg s4  }
0xb8: {  	[dreg:$0x3] =	wrdreg s6  }
0xb9: {  	[dreg:$0x4] =	wrdreg $0xC0  }
0xba: {  	_ =	task [dreg:s22], $0x5FFFF  }
0xbb: {  	[dreg:$0x1] =	wrdreg $0xFFFFFFFF  }
0xbc: {  	[dreg:$0x0] =	wrdreg $0x60  }
0xbd: {  	[dreg:$0x2] =	wrdreg s24  }
0xbe: {  	[dreg:$0x3] =	wrdreg s18  }
0xbf: {  	[dreg:$0x4] =	wrdreg $0xA  }
0xc0: {  	_ =	task.clear_ibuf [dreg:s22], $0x5FFFF;
	_ =	strace $0x90000049  }
0xc1: {  	s29 =	simm.s32 $0xA;
	_ =	strace $0x8000004B  }
0xc2: {  	_ =	swait.ge [sflag:s29], $0x1  }
0xc3: {  	[sflag:s29] =	ssyncadd.s32 $0xFFFFFFFF  }
0xc4: {  	_ =	strace $0x9000004B  }
0xc5: {  	_ =	sfence  }
0xc6: {  	s30 =	sld [smem:$0x0];
	_ =	sdelay $0x2  }
0xc7: {  	s31 =	sshll.u32 s1, $0xD;
	s1 =	sshrl.u32 s1, $0x2  }
0xc8: {  	s4 =	sand.u32 $0x4000, s31;
	s1 =	sadd.s32 s1, s30  }
0xc9: {  	s0 =	sor.u32 s4, s0;
	s1 =	sshll.u32 s1, $0x11  }
0xca: {  	s0 =	sor.u32 s1, s0  }
0xcb: {  	s0 =	sadd.s32 $0x8F2B, s0  }
0xcc: {  	[sflag:s0] =	ssyncadd.remote.s32 $0x1  }
0xcd: {  	_ =	sfence.sel $0xFFFF  }
0xce: {  	[dreg:$0x0] =	wrdreg $0xFFFFFFFF;
	(pc) =	sbr.abs _section_cstart, $3  }
0xcf: {  	[dreg:$0x1] =	wrdreg $0xFFFFFFFF  }
0xd0: {  	_ =	task.clear_ibuf [dreg:s22], $0x2FFFF;
	_ =	strace $0x9FFFFFFF  }
0xd1: {  	(tm) =	ssettm $0x7FFFFFFF  }
tec
execute0_lowered:
.L_overlay_start_1:
0x0: {  	(tag) =	ssettag $0x1  }
0x1: {  	s1 =	srdreg.scid;
	s4 =	rddreg [dreg:$0x0]  }
0x2: {  	s0 =	stileid.u32;
	s5 =	rddreg [dreg:$0x1]  }
0x3: {  	s2 =	simm.s32 $0x0;
	s16 =	simm.s32 $0x5C80;
	s17 =	simm.s32 $0x2  }
0x4: {  	s18 =	simm.s32 $0x3;
	s19 =	simm.s32 $0x1C00;
	s14 =	smul.u32 $0x1C0000, s0  }
0x5: {  	s20 =	simm.s32 $0x0;
	s8 =	sand.u32 $0x1, s1;
	s24 =	smul.u32 $0x38000, s0  }
0x6: {  	s22 =	sshll.u32 s0, $0x1;
	[smem:$0x7FF] =	sst s2;
	s15 =	smul.u32 $0xE0000, s8  }
0x7: {  	s10 =	sadd.s32 $0x39A400, s4;
	s6 =	sor.u32 s8, s22;
	s28 =	smul.u32 $0x1C000, s8  }
0x8: {  	s1 =	rddreg [dreg:$0x2];
	_ =	strace $0x8000004A;
	s3 =	smul.u32 $0x1C00, s6  }
0x9: {  	s11 =	ssub.s32 $0x2, s8;
	s9 =	sshll.u32 s6, $0xB;
	s12 =	smul.u32 $0xE0000, s6  }
0xa: {  	s23 =	sshrl.u32 s11, $0x1;
	s13 =	smul.u32 $0x1C000, s6;
	s6 =	sshll.u32 s6, $0x4  }
0xb: {  	s9 =	sadd.s32 s9, s4;
	s11 =	ssub.s32 s11, s23;
	s5 =	sadd.s32 s5, s6  }
0xc: {  	s26 =	sadd.s32 s15, s14;
	s14 =	simm.s32 $0x1C80;
	s15 =	simm.s32 $0x1  }
0xd: {  	s7 =	sshrl.u32 s3, $0x3;
	s3 =	sadd.s32 $0x1E8F000, s4;
	s6 =	sadd.s32 $0x38A400, s9  }
0xe: {  	s25 =	sshrl.u32 s12, $0x3;
	s29 =	sor.u32 $0x8000, s26;
	s9 =	sadd.s32 s24, s10  }
0xf: {  	s30 =	sadd.s32 s13, s10;
	s12 =	simm.s32 $0x4;
	s13 =	simm.s32 $0x80  }
0x10: {  	s7 =	sadd.s32 s7, s4;
	s8 =	sadd.s32 s10, s25;
	s31 =	sadd.s32 s28, s9  }
0x11: {  	s4 =	sadd.s32 $0x383400, s7;
	s7 =	smax.u32 s11, $0x1;
	s11 =	sshrl.u32 s29, $0x3  }
0x12: {  	s9 =	sadd.s32 $0x800, s30;
	s10 =	sadd.s32 s11, s10;
	s11 =	sadd.s32 $0x1800, s31  }
.LBB2_1:
0x13: {  	[tilespmem:s2], [sflag:$0x4] =	stream.linear.gather [hbm4b:s4+s2], $0x1C00, $0x38;
	[tilespmem:$0x9C80] =	vst v63  }
0x14: {  	_ =	swait.ge [sflag:s12], $0x1C00  }
0x15: {  	[sflag:s12] =	ssyncset.done $0x0  }
0x16: {  	[sflag:s12] =	ssyncadd.s32 $0xFFFFE400  }
0x17: {  	[tilespmem:s14], [sflag:$0x1] =	stream.indirect.gather [hbm4b:s3+s13], $0x80, s2, s13, $0xb8;
	[tilespmem:$0x9C80] =	vst v63  }
0x18: {  	_ =	swait.ge [sflag:s15], $0x4000  }
0x19: {  	[sflag:s15] =	ssyncset.done $0x0  }
0x1a: {  	[sflag:s15] =	ssyncadd.s32 $0xFFFFC000  }
0x1b: {  	[hbm4b:s8+s2] =	stream.linear.scatter [tilespmem:s14], [sflag:$0x2], $0x4000, $0x38;
	[tilespmem:$0x9C80] =	vst v63  }
0x1c: {  	_ = 	snop  }
0x1d: {  	[tilespmem:s16], [sflag:$0x1] =	stream.indirect.gather [hbm4b:s3+s13], $0x80, s13, s13, $0xb8;
	[tilespmem:$0x9C80] =	vst v63  }
0x1e: {  	_ =	swait.ge [sflag:s15], $0x4000  }
0x1f: {  	[sflag:s15] =	ssyncset.done $0x0  }
0x20: {  	[sflag:s15] =	ssyncadd.s32 $0xFFFFC000  }
0x21: {  	[hbm4b:s9+s2] =	stream.linear.scatter [tilespmem:s16], [sflag:$0x3], $0x4000, $0x38;
	[tilespmem:$0x9C80] =	vst v63  }
0x22: {  	_ =	swait.ge [sflag:s17], $0x4000  }
0x23: {  	[sflag:s17] =	ssyncset.done $0x0  }
0x24: {  	s21 =	simm.s32 $0x100;
	[sflag:s17] =	ssyncadd.s32 $0xFFFFC000  }
0x25: {  	[tilespmem:s14], [sflag:$0x1] =	stream.indirect.gather [hbm4b:s3+s13], $0x80, s21, s13, $0xb8;
	[tilespmem:$0x9C80] =	vst v63  }
0x26: {  	_ =	swait.ge [sflag:s15], $0x4000  }
0x27: {  	[sflag:s15] =	ssyncset.done $0x0  }
0x28: {  	s30 =	sadd.s32 $0x0, s10;
	[sflag:s15] =	ssyncadd.s32 $0xFFFFC000  }
0x29: {  	[hbm4b:s30+s2] =	stream.linear.scatter [tilespmem:s14], [sflag:$0x2], $0x4000, $0x38;
	[tilespmem:$0x9C80] =	vst v63  }
0x2a: {  	_ =	swait.ge [sflag:s18], $0x4000  }
0x2b: {  	[sflag:s18] =	ssyncset.done $0x0  }
0x2c: {  	s31 =	simm.s32 $0x180;
	[sflag:s18] =	ssyncadd.s32 $0xFFFFC000  }
0x2d: {  	[tilespmem:s16], [sflag:$0x1] =	stream.indirect.gather [hbm4b:s3+s13], $0x80, s31, s13, $0xb8;
	[tilespmem:$0x9C80] =	vst v63  }
0x2e: {  	_ =	swait.ge [sflag:s15], $0x4000  }
0x2f: {  	s23 =	sadd.s32 $0x0, s11;
	[sflag:s15] =	ssyncset.done $0x0  }
0x30: {  	s22 =	simm.s32 $0x200;
	s21 =	simm.s32 $0x1000;
	[sflag:s15] =	ssyncadd.s32 $0xFFFFC000  }
.LBB2_2:
0x31: {  	[hbm4b:s23+s2] =	stream.linear.scatter [tilespmem:s16], [sflag:$0x3], $0x4000, $0x38;
	[tilespmem:$0x9C80] =	vst v63  }
0x32: {  	s23 =	smov.u32 s21  }
0x33: {  	p0 =	sne.s32 s21, $0x1A000;
	s21 =	sadd.s32 $0x1000, s21;
	_ =	swait.ge [sflag:s17], $0x4000  }
0x34: {  	[sflag:s17] =	ssyncset.done $0x0  }
0x35: {  	[sflag:s17] =	ssyncadd.s32 $0xFFFFC000  }
0x36: {  	[tilespmem:s14], [sflag:$0x1] =	stream.indirect.gather [hbm4b:s3+s13], $0x80, s22, s13, $0xb8;
	[tilespmem:$0x9C80] =	vst v63  }
0x37: {  	_ =	swait.ge [sflag:s15], $0x4000  }
0x38: {  	[sflag:s15] =	ssyncset.done $0x0  }
0x39: {  	s24 =	sadd.s32 s23, s10;
	[sflag:s15] =	ssyncadd.s32 $0xFFFFC000  }
0x3a: {  	[hbm4b:s24+s2] =	stream.linear.scatter [tilespmem:s14], [sflag:$0x2], $0x4000, $0x38;
	[tilespmem:$0x9C80] =	vst v63  }
0x3b: {  	_ =	swait.ge [sflag:s18], $0x4000  }
0x3c: {  	[sflag:s18] =	ssyncset.done $0x0  }
.Ltmp0:
0x3d: {  	s24 =	sadd.s32 $0x80, s22;
	[sflag:s18] =	ssyncadd.s32 $0xFFFFC000;
	(pc) =	sbr.rel @p0 .LBB2_2-.Ltmp0, $4  }
0x3e: {  	[tilespmem:s16], [sflag:$0x1] =	stream.indirect.gather [hbm4b:s3+s13], $0x80, s24, s13, $0xb8;
	[tilespmem:$0x9C80] =	vst v63  }
0x3f: {  	_ =	swait.ge [sflag:s15], $0x4000  }
0x40: {  	[sflag:s15] =	ssyncset.done $0x0  }
0x41: {  	s23 =	sadd.s32 s23, s11;
	s22 =	sadd.s32 $0x100, s22;
	[sflag:s15] =	ssyncadd.s32 $0xFFFFC000  }
0x42: {  	[hbm4b:s23+s2] =	stream.linear.scatter [tilespmem:s16], [sflag:$0x3], $0x4000, $0x38;
	[tilespmem:$0x9C80] =	vst v63  }
0x43: {  	_ =	swait.ge [sflag:s17], $0x4000  }
0x44: {  	[sflag:s17] =	ssyncset.done $0x0  }
0x45: {  	[sflag:s17] =	ssyncadd.s32 $0xFFFFC000  }
0x46: {  	_ =	swait.ge [sflag:s18], $0x4000  }
0x47: {  	[sflag:s18] =	ssyncset.done $0x0  }
0x48: {  	[sflag:s18] =	ssyncadd.s32 $0xFFFFC000  }
0x49: {  	[tilespmem:s19], [sflag:$0x4] =	stream.linear.gather [hbm4b:s5+s2], $0x80, $0x38;
	[tilespmem:$0x9C80] =	vst v63  }
0x4a: {  	_ =	swait.ge [sflag:s12], $0x80  }
0x4b: {  	[sflag:s12] =	ssyncset.done $0x0  }
0x4c: {  	[sflag:s12] =	ssyncadd.s32 $0xFFFFFF80  }
0x4d: {  	[tilespmem:s14], [sflag:$0x1] =	stream.indirect.gather [hbm4b:s3+s13], $0x80, s19, s13, $0xb8;
	[tilespmem:$0x9C80] =	vst v63  }
0x4e: {  	s20 =	sadd.s32 $0x1, s20;
	_ =	swait.ge [sflag:s15], $0x4000  }
0x4f: {  	p0 =	sne.s32 s20, s7;
	[sflag:s15] =	ssyncset.done $0x0  }
.Ltmp1:
0x50: {  	[sflag:s15] =	ssyncadd.s32 $0xFFFFC000;
	(pc) =	sbr.rel @p0 .LBB2_1-.Ltmp1, $4  }
0x51: {  	[hbm4b:s6+s2] =	stream.linear.scatter [tilespmem:s14], [sflag:$0x2], $0x4000, $0x38;
	[tilespmem:$0x9C80] =	vst v63  }
0x52: {  	_ =	swait.ge [sflag:s17], $0x4000  }
0x53: {  	[sflag:s17] =	ssyncset.done $0x0  }
0x54: {  	[sflag:s17] =	ssyncadd.s32 $0xFFFFC000  }
0x55: {  	_ =	sfence.sel $0x180000  }
0x56: {  	[bflag:$0x0] =	sbarrier.arrive $0xFFFF  }
0x57: {  	p0 =	sne.s32 s0, $0x0;
	_ =	strace $0x9000004A  }
0x58: {  	s0 =	sadd.s32 @!p0 $0x100000, s1;
	[bflag:$0x2] =	sbarrier.arrive $0xFFFF  }
0x59: {  	[sflag:s0] =	ssyncadd.tile.s32 @!p0 $0x1;
	_ =	shalt  }
.Lfunc_end2:
_tile_overlayer_lowered:
.L_overlay_start_2:
0x5a: {  	(tag) =	ssettag $0x2  }
0x5b: {  	s0 =	rddreg [dreg:$0x0];
	s2 =	stileid.u32  }
0x5c: {  	s1 =	rddreg [dreg:$0x1];
	p0 =	sne.s32 s2, $0x0  }
0x5d: {  	s3 =	rddreg [dreg:$0x2];
	[bflag:$0x3] =	sbarrier.arrive $0xFFFF;
	s2 =	simm.s32 @!p0 $0x1C04  }
0x5e: {  	[timem:s3], [sflag:s2] =	dma.local @!p0 [hbm:s0], s1  }
0x5f: {  	s0 =	simm.s32 @!p0 $0x4  }
0x60: {  	_ =	swait.ge @!p0 [sflag:s0], s1  }
0x61: {  	s1 =	ssub.s32 @!p0 $0x0, s1;
	[sflag:s0] =	ssyncset.done @!p0 $0x0  }
0x62: {  	[sflag:s0] =	ssyncadd.s32 @!p0 s1  }
0x63: {  	[bflag:$0x3] =	sbarrier.arrive $0xFFFF  }
0x64: {  	_ =	shalt  }

// kernel: kernel.14.cloned.1.call-start
scs
__scs_entry_jumppad:
0x0: {  	(pc) =	sbr.rel $0x88, $3  }
0x1: {  	(tag) =	ssettag $0x0;
	lr =	simm.s32 $0x1  }
0x2: {  	[smem:$0x3F98] =	sst lr;
	_ =	strace $0xD0000000  }
0x3: {  	_ = 	snop  }
0x4: {  	_ = 	snop  }
0x5: {  	_ = 	snop  }
0x6: {  	_ = 	snop  }
0x7: {  	_ = 	snop  }
__scs_overlays_trampoline_lowered:
0x8: {  	[smem:$0x3FA7] =	sst s0  }
0x9: {  	[smem:$0x3FA8] =	sst s1  }
0xa: {  	[smem:$0x3FA9] =	sst s2  }
0xb: {  	[smem:$0x3FAA] =	sst s3  }
0xc: {  	[smem:$0x3FAB] =	sst s4  }
0xd: {  	[smem:$0x3FAC] =	sst s5  }
0xe: {  	[smem:$0x3FAD] =	sst s6  }
0xf: {  	[smem:$0x3FAE] =	sst s7  }
0x10: {  	[smem:$0x3FAF] =	sst s8  }
0x11: {  	[smem:$0x3FB0] =	sst s9;
	s0 =	simm.s32 @!p0 $0x0  }
0x12: {  	s1 =	sld [smem:$0x3F96];
	s0 =	simm.s32 @p0 $0x1  }
0x13: {  	[smem:$0x3FB1] =	sst s0;
	s0 =	simm.s32 @!p1 $0x0  }
0x14: {  	s2 =	sld [smem:$0x3F95];
	s0 =	simm.s32 @p1 $0x1  }
0x15: {  	[smem:$0x3FB2] =	sst s0;
	s0 =	simm.s32 @!p2 $0x0  }
0x16: {  	s3 =	sld [smem:$0x3FDB];
	s0 =	simm.s32 @p2 $0x1  }
0x17: {  	s4 =	simm.s32 $0x1BF5;
	[smem:$0x3FB4] =	sst s0  }
0x18: {  	s0 =	sld [smem:$0x3F97];
	_ =	swait.ge [sflag:s4], $0x0  }
0x19: {  	s7 =	sld [smem:$0x3F98]  }
0x1a: {  	s8 =	sadd.s32 $0xFFFFE003, lr  }
0x1b: {  	s9 =	sadd.s32 $0xFFFFFEF7, lr;
	s5 =	simm.s32 $0xFFFFFFFF;
	p2 =	slt.u32 s8, $0xFFFFF086  }
0x1c: {  	p1 =	slt.u32 s9, $0xF7A;
	s5 =	simm.s32 @!p2 $0x0  }
0x1d: {  	s5 =	simm.s32 @p1 $0x1;
	p0 =	seq.s32 s7, s2  }
0x1e: {  	s7 =	smul.u32 @!p0 $0xF7A, s2;
	p2 =	seq.s32 @!p0 s5, $0x0  }
0x1f: {  	s9 =	smul.u32 $0xF7A, s1;
	s8 =	simm.s32 @!p0 $0x1BF5;
	p2 =	por !p2, p0  }
0x20: {  	[sflag:s8] =	ssyncset.s32 @!p0 $0xFFFFF086;
	s6 =	sadd.s32 @!p0 s3, s7;
	s7 =	simm.s32 @!p0 $0x108  }
0x21: {  	s3 =	sadd.s32 s3, s9;
	s6 =	sadd.s32 @!p0 $0x88, s6;
	s7 =	simm.s32 @p2 $0x1082  }
0x22: {  	[simem:s7], [sflag:s8] =	dma.local @!p0 [hbm:s6], $0xF7A  }
0x23: {  	s9 =	sor.u32 $0xD0000000, s2;
	s6 =	simm.s32 $0x108;
	_ =	swait.ge @!p0 [sflag:s8], $0x0  }
0x24: {  	s3 =	sadd.s32 $0x88, s3;
	s6 =	simm.s32 @!p1 $0x1082;
	[sflag:s4] =	ssyncset.s32 $0xFFFFF086  }
0x25: {  	[simem:s6], [sflag:s4] =	dma.local [hbm:s3], $0xF7A  }
0x26: {  	[smem:$0x3F98] =	sst s1;
	(tag) =	ssettag s2;
	_ =	strace s9  }
0x27: {  	s1 =	sld [smem:$0x3FA8]  }
0x28: {  	s2 =	sld [smem:$0x3FA9]  }
0x29: {  	s4 =	sld [smem:$0x3FAB]  }
0x2a: {  	p0 =	seq.s32 s5, $0x0;
	s5 =	sld [smem:$0x3FAC]  }
0x2b: {  	s6 =	sld [smem:$0x3FAD]  }
0x2c: {  	s7 =	sld [smem:$0x3FAE]  }
0x2d: {  	s3 =	simm.s32 $0x108;
	s8 =	sld [smem:$0x3FAF]  }
0x2e: {  	s3 =	simm.s32 @!p0 $0x1082;
	s9 =	sld [smem:$0x3FB0]  }
0x2f: {  	lr =	sadd.s32 s0, s3;
	s0 =	sld [smem:$0x3FA7]  }
0x30: {  	s3 =	sld [smem:$0x3FAA]  }
0x31: {  	[smem:$0x3FB3] =	sst s10  }
0x32: {  	s10 =	sld [smem:$0x3FB1];
	_ =	sdelay $0x3  }
0x33: {  	p0 =	seq.s32 s10, $0x1;
	s10 =	sld [smem:$0x3FB3];
	_ =	sdelay $0x3  }
0x34: {  	[smem:$0x3FB3] =	sst s10  }
0x35: {  	s10 =	sld [smem:$0x3FB2];
	_ =	sdelay $0x3  }
0x36: {  	p1 =	seq.s32 s10, $0x1;
	s10 =	sld [smem:$0x3FB3];
	_ =	sdelay $0x3  }
0x37: {  	[smem:$0x3FB3] =	sst s10  }
0x38: {  	s10 =	sld [smem:$0x3FB4]  }
0x39: {  	_ = 	snop;
	(pc) =	sbr.ind lr, $3  }
0x3a: {  	_ = 	snop  }
0x3b: {  	_ = 	snop  }
0x3c: {  	p2 =	seq.s32 s10, $0x1;
	s10 =	sld [smem:$0x3FB3]  }
0x3d: {  	_ =	shalt  }
0x3e: {  	_ =	shalt  }
0x3f: {  	_ =	shalt  }
0x40: {  	_ =	shalt  }
0x41: {  	_ =	shalt  }
0x42: {  	_ =	shalt  }
0x43: {  	_ =	shalt  }
0x44: {  	_ =	shalt  }
0x45: {  	_ =	shalt  }
0x46: {  	_ =	shalt  }
0x47: {  	_ =	shalt  }
0x48: {  	_ =	shalt  }
0x49: {  	_ =	shalt  }
0x4a: {  	_ =	shalt  }
0x4b: {  	_ =	shalt  }
0x4c: {  	_ =	shalt  }
0x4d: {  	_ =	shalt  }
0x4e: {  	_ =	shalt  }
0x4f: {  	_ =	shalt  }
0x50: {  	_ =	shalt  }
0x51: {  	_ =	shalt  }
0x52: {  	_ =	shalt  }
0x53: {  	_ =	shalt  }
0x54: {  	_ =	shalt  }
0x55: {  	_ =	shalt  }
0x56: {  	_ =	shalt  }
0x57: {  	_ =	shalt  }
0x58: {  	_ =	shalt  }
0x59: {  	_ =	shalt  }
0x5a: {  	_ =	shalt  }
0x5b: {  	_ =	shalt  }
0x5c: {  	_ =	shalt  }
0x5d: {  	_ =	shalt  }
0x5e: {  	_ =	shalt  }
0x5f: {  	_ =	shalt  }
0x60: {  	_ =	shalt  }
0x61: {  	_ =	shalt  }
0x62: {  	_ =	shalt  }
0x63: {  	_ =	shalt  }
0x64: {  	_ =	shalt  }
0x65: {  	_ =	shalt  }
0x66: {  	_ =	shalt  }
0x67: {  	_ =	shalt  }
0x68: {  	_ =	shalt  }
0x69: {  	_ =	shalt  }
0x6a: {  	_ =	shalt  }
0x6b: {  	_ =	shalt  }
0x6c: {  	_ =	shalt  }
0x6d: {  	_ =	shalt  }
0x6e: {  	_ =	shalt  }
0x6f: {  	_ =	shalt  }
0x70: {  	_ =	shalt  }
0x71: {  	_ =	shalt  }
0x72: {  	_ =	shalt  }
0x73: {  	_ =	shalt  }
0x74: {  	_ =	shalt  }
0x75: {  	_ =	shalt  }
0x76: {  	_ =	shalt  }
0x77: {  	_ =	shalt  }
0x78: {  	_ =	shalt  }
0x79: {  	_ =	shalt  }
0x7a: {  	_ =	shalt  }
0x7b: {  	_ =	shalt  }
0x7c: {  	_ =	shalt  }
0x7d: {  	_ =	shalt  }
0x7e: {  	_ =	shalt  }
0x7f: {  	_ =	shalt  }
0x80: {  	_ =	shalt  }
0x81: {  	_ =	shalt  }
0x82: {  	_ =	shalt  }
0x83: {  	_ =	shalt  }
0x84: {  	_ =	shalt  }
0x85: {  	_ =	shalt  }
0x86: {  	_ =	shalt  }
0x87: {  	_ =	shalt  }
.Lfunc_end0:
.L_simem_size_0:
called_computation.2_lowered:
.L_overlay_start_0:
0x88: {  	s2 =	sld [smem:$0x3FD9]  }
0x89: {  	s3 =	sld [smem:$0x3FFE];
	_ =	sdelay $0x1  }
0x8a: {  	s1 =	srdreg.scid  }
0x8b: {  	s0 =	sand.u32 $0x1, s1  }
0x8c: {  	s17 =	sshll.u32 s0, $0xA;
	s2 =	sadd.s32 s3, s2  }
0x8d: {  	s2 =	sadd.s32 s2, s17  }
0x8e: {  	[smem:$0x3FBF] =	sst s2  }
0x8f: {  	_ = 	snop  }
0x90: {  	s18 =	sld [smem:$0x3FD0];
	(tm) =	ssettm $0x1  }
0x91: {  	s19 =	sld [smem:$0x3FFB];
	_ =	sdelay $0x3  }
0x92: {  	_ =	strace s19  }
0x93: {  	s2 =	sld [smem:$0x3FFC];
	_ =	sdelay $0x3  }
0x94: {  	_ =	strace s2  }
0x95: {  	s2 =	sld [smem:$0x3FFD];
	_ =	sdelay $0x3  }
0x96: {  	_ =	strace s2  }
0x97: {  	_ =	strace $0x8FFFFFFF  }
0x98: {  	s20 =	sld [smem:$0x3FDB];
	_ =	sdelay $0x1  }
0x99: {  	s4 =	simm.s32 $_scs_section_size  }
0x9a: {  	s5 =	simm.s32 $_size__tile_overlayer_lowered;
	s6 =	simm.s32 $_tile_overlayer_lowered  }
0x9b: {  	s7 =	simm.s32 $0x1BFF;
	s21 =	sshll.u32 s6, $0x1;
	s4 =	sadd.s32 s4, s20  }
0x9c: {  	s22 =	simm.s32 $0x0;
	s5 =	sshll.u32 s5, $0x1;
	s6 =	sadd.s32 s21, s4  }
0x9d: {  	[timem:s22], [sflag:s7] =	dma.local [hbm:s6], s5  }
0x9e: {  	_ =	swait.ge [sflag:s7], s5  }
0x9f: {  	s5 =	ssub.s32 $0x0, s5;
	[sflag:s7] =	ssyncset.done $0x0  }
0xa0: {  	[sflag:s7] =	ssyncadd.s32 s5;
	_ =	sdelay $0x1  }
0xa1: {  	s23 =	simm.s32 $0x1B8B  }
0xa2: {  	_ =	swait.ge [sflag:s23], $0x1  }
0xa3: {  	[sflag:s23] =	ssyncset.done $0x0  }
0xa4: {  	[sflag:s23] =	ssyncadd.s32 $0xFFFFFFFF  }
0xa5: {  	s5 =	sld [smem:$0x0]  }
0xa6: {  	s6 =	sand.u32 $0xFFFFFFFE, s1  }
0xa7: {  	p0 =	sne.s32 s1, s6  }
0xa8: {  	s6 =	sshll.u32 @p0 s6, $0xE  }
0xa9: {  	s6 =	sadd.s32 @p0 $0x11B8D, s6;
	s7 =	sshll.u32 @p0 s5, $0x11  }
0xaa: {  	s6 =	sor.u32 @p0 s7, s6  }
0xab: {  	[sflag:s6] =	ssyncadd.remote.s32 @p0 $0x1;
	_ =	sdelay $0x1  }
0xac: {  	s6 =	simm.s32 @p0 $0x1B8D  }
0xad: {  	_ =	swait.eq @p0 [sflag:s6], $0x1  }
0xae: {  	[sflag:s6] =	ssyncadd.s32 @p0 $0xFFFFFFFF  }
0xaf: {  	s7 =	sshll.u32 @!p0 s1, $0xE  }
0xb0: {  	s7 =	sor.u32 @!p0 $0x4000, s7;
	s6 =	simm.s32 @!p0 $0x1B8D  }
0xb1: {  	s5 =	sshll.u32 @!p0 s5, $0x11;
	s7 =	sadd.s32 @!p0 $0x11B8D, s7;
	_ =	swait.eq @!p0 [sflag:s6], $0x1  }
0xb2: {  	s5 =	sor.u32 @!p0 s5, s7;
	[sflag:s6] =	ssyncadd.s32 @!p0 $0xFFFFFFFF  }
0xb3: {  	s25 =	simm.s32 $0x1B8E;
	s24 =	sld [smem:$0x3FFE];
	[sflag:s5] =	ssyncadd.remote.s32 @!p0 $0x1  }
0xb4: {  	s26 =	simm.s32 $execute0_lowered;
	[smem:$0x3FD2] =	sst s25  }
0xb5: {  	s6 =	sshll.u32 s26, $0x1;
	_ =	strace $0x8000004C;
	[dreg:$0x1] =	wrdreg $0xFFFFFFFF  }
0xb6: {  	s28 =	simm.s32 $_size_execute0_lowered;
	s4 =	sadd.s32 s4, s6;
	[dreg:$0x0] =	wrdreg $0x0  }
0xb7: {  	s6 =	sshll.u32 s28, $0x1;
	[dreg:$0x2] =	wrdreg s4  }
0xb8: {  	[dreg:$0x3] =	wrdreg s6  }
0xb9: {  	[dreg:$0x4] =	wrdreg $0xC0  }
0xba: {  	_ =	task [dreg:s22], $0x5FFFF  }
0xbb: {  	[dreg:$0x1] =	wrdreg $0xFFFFFFFF  }
0xbc: {  	[dreg:$0x0] =	wrdreg $0x60  }
0xbd: {  	[dreg:$0x2] =	wrdreg s24  }
0xbe: {  	[dreg:$0x3] =	wrdreg s18  }
0xbf: {  	[dreg:$0x4] =	wrdreg $0xB  }
0xc0: {  	_ =	task.clear_ibuf [dreg:s22], $0x5FFFF;
	_ =	strace $0x9000004C  }
0xc1: {  	s29 =	simm.s32 $0xB;
	_ =	strace $0x8000004E  }
0xc2: {  	_ =	swait.ge [sflag:s29], $0x1  }
0xc3: {  	[sflag:s29] =	ssyncadd.s32 $0xFFFFFFFF  }
0xc4: {  	_ =	strace $0x9000004E  }
0xc5: {  	_ =	sfence  }
0xc6: {  	s30 =	sld [smem:$0x0];
	_ =	sdelay $0x2  }
0xc7: {  	s31 =	sshll.u32 s1, $0xD;
	s1 =	sshrl.u32 s1, $0x2  }
0xc8: {  	s4 =	sand.u32 $0x4000, s31;
	s1 =	sadd.s32 s1, s30  }
0xc9: {  	s0 =	sor.u32 s4, s0;
	s1 =	sshll.u32 s1, $0x11  }
0xca: {  	s0 =	sor.u32 s1, s0  }
0xcb: {  	s0 =	sadd.s32 $0x8F2B, s0  }
0xcc: {  	[sflag:s0] =	ssyncadd.remote.s32 $0x1  }
0xcd: {  	_ =	sfence.sel $0xFFFF  }
0xce: {  	[dreg:$0x0] =	wrdreg $0xFFFFFFFF;
	(pc) =	sbr.abs _section_cstart, $3  }
0xcf: {  	[dreg:$0x1] =	wrdreg $0xFFFFFFFF  }
0xd0: {  	_ =	task.clear_ibuf [dreg:s22], $0x2FFFF;
	_ =	strace $0x9FFFFFFF  }
0xd1: {  	(tm) =	ssettm $0x7FFFFFFF  }
tec
execute0_lowered:
.L_overlay_start_1:
0x0: {  	(tag) =	ssettag $0x1  }
0x1: {  	s4 =	rddreg [dreg:$0x0]  }
0x2: {  	s5 =	rddreg [dreg:$0x1]  }
0x3: {  	s0 =	rddreg [dreg:$0x2]  }
0x4: {  	s3 =	srdreg.scid;
	s1 =	stileid.u32;
	s2 =	simm.s32 $0x0  }
0x5: {  	s13 =	simm.s32 $0x1;
	s14 =	simm.s32 $0x5C00;
	s12 =	smul.u32 $0x1C0000, s1  }
0x6: {  	s15 =	simm.s32 $0x2;
	s7 =	sand.u32 $0x1, s3;
	s28 =	smul.u32 $0x38000, s1  }
0x7: {  	s16 =	simm.s32 $0x3;
	s21 =	sshll.u32 s1, $0x1;
	s24 =	smul.u32 $0xE0000, s7  }
0x8: {  	s17 =	simm.s32 $0x0;
	s6 =	sor.u32 s7, s21;
	s29 =	smul.u32 $0x1C000, s7  }
0x9: {  	[smem:$0x7FF] =	sst s2;
	s3 =	sadd.s32 $0x1E8F000, s4;
	s8 =	smul.u32 $0x1C00, s6  }
0xa: {  	s11 =	sadd.s32 $0x71A400, s4;
	s9 =	ssub.s32 $0x2, s7;
	s10 =	smul.u32 $0xE0000, s6  }
0xb: {  	_ =	strace $0x8000004D;
	s22 =	sshrl.u32 s9, $0x1;
	s25 =	smul.u32 $0x1C000, s6  }
0xc: {  	s31 =	sadd.s32 s28, s11;
	s9 =	ssub.s32 s9, s22;
	s23 =	sshrl.u32 s8, $0x3  }
0xd: {  	s26 =	sshrl.u32 s10, $0x3;
	s8 =	sadd.s32 s24, s12;
	s30 =	sadd.s32 s25, s11  }
0xe: {  	s10 =	simm.s32 $0x4;
	s12 =	simm.s32 $0x1C00;
	s4 =	sadd.s32 s5, s23  }
0xf: {  	s5 =	smax.u32 s9, $0x1;
	s6 =	sadd.s32 s11, s26;
	s8 =	sor.u32 $0x8000, s8  }
0x10: {  	s7 =	sadd.s32 $0x800, s30;
	s9 =	sadd.s32 s29, s31;
	s8 =	sshrl.u32 s8, $0x3  }
0x11: {  	s9 =	sadd.s32 $0x1800, s9;
	s8 =	sadd.s32 s8, s11;
	s11 =	simm.s32 $0x80  }
.LBB2_1:
0x12: {  	[tilespmem:s2], [sflag:$0x4] =	stream.linear.gather [hbm4b:s4+s2], $0x1C00, $0x38;
	[tilespmem:$0x9C00] =	vst v63  }
0x13: {  	_ =	swait.ge [sflag:s10], $0x1C00  }
0x14: {  	[sflag:s10] =	ssyncset.done $0x0  }
0x15: {  	[sflag:s10] =	ssyncadd.s32 $0xFFFFE400  }
0x16: {  	[tilespmem:s12], [sflag:$0x1] =	stream.indirect.gather [hbm4b:s3+s11], $0x80, s2, s11, $0xb8;
	[tilespmem:$0x9C00] =	vst v63  }
0x17: {  	_ =	swait.ge [sflag:s13], $0x4000  }
0x18: {  	[sflag:s13] =	ssyncset.done $0x0  }
0x19: {  	[sflag:s13] =	ssyncadd.s32 $0xFFFFC000  }
0x1a: {  	[hbm4b:s6+s2] =	stream.linear.scatter [tilespmem:s12], [sflag:$0x2], $0x4000, $0x38;
	[tilespmem:$0x9C00] =	vst v63  }
0x1b: {  	_ = 	snop  }
0x1c: {  	[tilespmem:s14], [sflag:$0x1] =	stream.indirect.gather [hbm4b:s3+s11], $0x80, s11, s11, $0xb8;
	[tilespmem:$0x9C00] =	vst v63  }
0x1d: {  	_ =	swait.ge [sflag:s13], $0x4000  }
0x1e: {  	[sflag:s13] =	ssyncset.done $0x0  }
0x1f: {  	[sflag:s13] =	ssyncadd.s32 $0xFFFFC000  }
0x20: {  	[hbm4b:s7+s2] =	stream.linear.scatter [tilespmem:s14], [sflag:$0x3], $0x4000, $0x38;
	[tilespmem:$0x9C00] =	vst v63  }
0x21: {  	_ =	swait.ge [sflag:s15], $0x4000  }
0x22: {  	[sflag:s15] =	ssyncset.done $0x0  }
0x23: {  	s18 =	simm.s32 $0x100;
	[sflag:s15] =	ssyncadd.s32 $0xFFFFC000  }
0x24: {  	[tilespmem:s12], [sflag:$0x1] =	stream.indirect.gather [hbm4b:s3+s11], $0x80, s18, s11, $0xb8;
	[tilespmem:$0x9C00] =	vst v63  }
0x25: {  	_ =	swait.ge [sflag:s13], $0x4000  }
0x26: {  	[sflag:s13] =	ssyncset.done $0x0  }
0x27: {  	s30 =	sadd.s32 $0x0, s8;
	[sflag:s13] =	ssyncadd.s32 $0xFFFFC000  }
0x28: {  	[hbm4b:s30+s2] =	stream.linear.scatter [tilespmem:s12], [sflag:$0x2], $0x4000, $0x38;
	[tilespmem:$0x9C00] =	vst v63  }
0x29: {  	_ =	swait.ge [sflag:s16], $0x4000  }
0x2a: {  	[sflag:s16] =	ssyncset.done $0x0  }
0x2b: {  	s31 =	simm.s32 $0x180;
	[sflag:s16] =	ssyncadd.s32 $0xFFFFC000  }
0x2c: {  	[tilespmem:s14], [sflag:$0x1] =	stream.indirect.gather [hbm4b:s3+s11], $0x80, s31, s11, $0xb8;
	[tilespmem:$0x9C00] =	vst v63  }
0x2d: {  	_ =	swait.ge [sflag:s13], $0x4000  }
0x2e: {  	s20 =	sadd.s32 $0x0, s9;
	[sflag:s13] =	ssyncset.done $0x0  }
0x2f: {  	s19 =	simm.s32 $0x200;
	s18 =	simm.s32 $0x1000;
	[sflag:s13] =	ssyncadd.s32 $0xFFFFC000  }
.LBB2_2:
0x30: {  	[hbm4b:s20+s2] =	stream.linear.scatter [tilespmem:s14], [sflag:$0x3], $0x4000, $0x38;
	[tilespmem:$0x9C00] =	vst v63  }
0x31: {  	s20 =	smov.u32 s18  }
0x32: {  	p0 =	sne.s32 s18, $0x1A000;
	s18 =	sadd.s32 $0x1000, s18;
	_ =	swait.ge [sflag:s15], $0x4000  }
0x33: {  	[sflag:s15] =	ssyncset.done $0x0  }
0x34: {  	[sflag:s15] =	ssyncadd.s32 $0xFFFFC000  }
0x35: {  	[tilespmem:s12], [sflag:$0x1] =	stream.indirect.gather [hbm4b:s3+s11], $0x80, s19, s11, $0xb8;
	[tilespmem:$0x9C00] =	vst v63  }
0x36: {  	_ =	swait.ge [sflag:s13], $0x4000  }
0x37: {  	[sflag:s13] =	ssyncset.done $0x0  }
0x38: {  	s21 =	sadd.s32 s20, s8;
	[sflag:s13] =	ssyncadd.s32 $0xFFFFC000  }
0x39: {  	[hbm4b:s21+s2] =	stream.linear.scatter [tilespmem:s12], [sflag:$0x2], $0x4000, $0x38;
	[tilespmem:$0x9C00] =	vst v63  }
0x3a: {  	_ =	swait.ge [sflag:s16], $0x4000  }
0x3b: {  	[sflag:s16] =	ssyncset.done $0x0  }
.Ltmp0:
0x3c: {  	s21 =	sadd.s32 $0x80, s19;
	[sflag:s16] =	ssyncadd.s32 $0xFFFFC000;
	(pc) =	sbr.rel @p0 .LBB2_2-.Ltmp0, $4  }
0x3d: {  	[tilespmem:s14], [sflag:$0x1] =	stream.indirect.gather [hbm4b:s3+s11], $0x80, s21, s11, $0xb8;
	[tilespmem:$0x9C00] =	vst v63  }
0x3e: {  	_ =	swait.ge [sflag:s13], $0x4000  }
0x3f: {  	[sflag:s13] =	ssyncset.done $0x0  }
0x40: {  	s20 =	sadd.s32 s20, s9;
	s19 =	sadd.s32 $0x100, s19;
	[sflag:s13] =	ssyncadd.s32 $0xFFFFC000  }
0x41: {  	[hbm4b:s20+s2] =	stream.linear.scatter [tilespmem:s14], [sflag:$0x3], $0x4000, $0x38;
	[tilespmem:$0x9C00] =	vst v63  }
0x42: {  	s17 =	sadd.s32 $0x1, s17  }
0x43: {  	_ =	swait.ge [sflag:s15], $0x4000;
	p0 =	sne.s32 s17, s5  }
.Ltmp1:
0x44: {  	[sflag:s15] =	ssyncset.done $0x0;
	(pc) =	sbr.rel @p0 .LBB2_1-.Ltmp1, $4  }
0x45: {  	[sflag:s15] =	ssyncadd.s32 $0xFFFFC000  }
0x46: {  	_ =	swait.ge [sflag:s16], $0x4000  }
0x47: {  	[sflag:s16] =	ssyncset.done $0x0  }
0x48: {  	[sflag:s16] =	ssyncadd.s32 $0xFFFFC000  }
0x49: {  	_ =	sfence.sel $0x180000  }
0x4a: {  	[bflag:$0x0] =	sbarrier.arrive $0xFFFF  }
0x4b: {  	p0 =	sne.s32 s1, $0x0;
	_ =	strace $0x9000004D  }
0x4c: {  	s0 =	sadd.s32 @!p0 $0x100000, s0;
	[bflag:$0x2] =	sbarrier.arrive $0xFFFF  }
0x4d: {  	[sflag:s0] =	ssyncadd.tile.s32 @!p0 $0x1;
	_ =	shalt  }
.Lfunc_end2:
_tile_overlayer_lowered:
.L_overlay_start_2:
0x4e: {  	(tag) =	ssettag $0x2  }
0x4f: {  	s0 =	rddreg [dreg:$0x0];
	s2 =	stileid.u32  }
0x50: {  	s1 =	rddreg [dreg:$0x1];
	p0 =	sne.s32 s2, $0x0  }
0x51: {  	s3 =	rddreg [dreg:$0x2];
	[bflag:$0x3] =	sbarrier.arrive $0xFFFF;
	s2 =	simm.s32 @!p0 $0x1C04  }
0x52: {  	[timem:s3], [sflag:s2] =	dma.local @!p0 [hbm:s0], s1  }
0x53: {  	s0 =	simm.s32 @!p0 $0x4  }
0x54: {  	_ =	swait.ge @!p0 [sflag:s0], s1  }
0x55: {  	s1 =	ssub.s32 @!p0 $0x0, s1;
	[sflag:s0] =	ssyncset.done @!p0 $0x0  }
0x56: {  	[sflag:s0] =	ssyncadd.s32 @!p0 s1  }
0x57: {  	[bflag:$0x3] =	sbarrier.arrive $0xFFFF  }
0x58: {  	_ =	shalt  }

// kernel: kernel.8.cloned.1.call-start
scs
__scs_entry_jumppad:
0x0: {  	(pc) =	sbr.rel $0x88, $3  }
0x1: {  	(tag) =	ssettag $0x0;
	lr =	simm.s32 $0x1  }
0x2: {  	[smem:$0x3F98] =	sst lr;
	_ =	strace $0xD0000000  }
0x3: {  	_ = 	snop  }
0x4: {  	_ = 	snop  }
0x5: {  	_ = 	snop  }
0x6: {  	_ = 	snop  }
0x7: {  	_ = 	snop  }
__scs_overlays_trampoline_lowered:
0x8: {  	[smem:$0x3FA7] =	sst s0  }
0x9: {  	[smem:$0x3FA8] =	sst s1  }
0xa: {  	[smem:$0x3FA9] =	sst s2  }
0xb: {  	[smem:$0x3FAA] =	sst s3  }
0xc: {  	[smem:$0x3FAB] =	sst s4  }
0xd: {  	[smem:$0x3FAC] =	sst s5  }
0xe: {  	[smem:$0x3FAD] =	sst s6  }
0xf: {  	[smem:$0x3FAE] =	sst s7  }
0x10: {  	[smem:$0x3FAF] =	sst s8  }
0x11: {  	[smem:$0x3FB0] =	sst s9;
	s0 =	simm.s32 @!p0 $0x0  }
0x12: {  	s1 =	sld [smem:$0x3F96];
	s0 =	simm.s32 @p0 $0x1  }
0x13: {  	[smem:$0x3FB1] =	sst s0;
	s0 =	simm.s32 @!p1 $0x0  }
0x14: {  	s2 =	sld [smem:$0x3F95];
	s0 =	simm.s32 @p1 $0x1  }
0x15: {  	[smem:$0x3FB2] =	sst s0;
	s0 =	simm.s32 @!p2 $0x0  }
0x16: {  	s3 =	sld [smem:$0x3FDB];
	s0 =	simm.s32 @p2 $0x1  }
0x17: {  	s4 =	simm.s32 $0x1BF5;
	[smem:$0x3FB4] =	sst s0  }
0x18: {  	s0 =	sld [smem:$0x3F97];
	_ =	swait.ge [sflag:s4], $0x0  }
0x19: {  	s7 =	sld [smem:$0x3F98]  }
0x1a: {  	s8 =	sadd.s32 $0xFFFFE003, lr  }
0x1b: {  	s9 =	sadd.s32 $0xFFFFFEF7, lr;
	s5 =	simm.s32 $0xFFFFFFFF;
	p2 =	slt.u32 s8, $0xFFFFF086  }
0x1c: {  	p1 =	slt.u32 s9, $0xF7A;
	s5 =	simm.s32 @!p2 $0x0  }
0x1d: {  	s5 =	simm.s32 @p1 $0x1;
	p0 =	seq.s32 s7, s2  }
0x1e: {  	s7 =	smul.u32 @!p0 $0xF7A, s2;
	p2 =	seq.s32 @!p0 s5, $0x0  }
0x1f: {  	s9 =	smul.u32 $0xF7A, s1;
	s8 =	simm.s32 @!p0 $0x1BF5;
	p2 =	por !p2, p0  }
0x20: {  	[sflag:s8] =	ssyncset.s32 @!p0 $0xFFFFF086;
	s6 =	sadd.s32 @!p0 s3, s7;
	s7 =	simm.s32 @!p0 $0x108  }
0x21: {  	s3 =	sadd.s32 s3, s9;
	s6 =	sadd.s32 @!p0 $0x88, s6;
	s7 =	simm.s32 @p2 $0x1082  }
0x22: {  	[simem:s7], [sflag:s8] =	dma.local @!p0 [hbm:s6], $0xF7A  }
0x23: {  	s9 =	sor.u32 $0xD0000000, s2;
	s6 =	simm.s32 $0x108;
	_ =	swait.ge @!p0 [sflag:s8], $0x0  }
0x24: {  	s3 =	sadd.s32 $0x88, s3;
	s6 =	simm.s32 @!p1 $0x1082;
	[sflag:s4] =	ssyncset.s32 $0xFFFFF086  }
0x25: {  	[simem:s6], [sflag:s4] =	dma.local [hbm:s3], $0xF7A  }
0x26: {  	[smem:$0x3F98] =	sst s1;
	(tag) =	ssettag s2;
	_ =	strace s9  }
0x27: {  	s1 =	sld [smem:$0x3FA8]  }
0x28: {  	s2 =	sld [smem:$0x3FA9]  }
0x29: {  	s4 =	sld [smem:$0x3FAB]  }
0x2a: {  	p0 =	seq.s32 s5, $0x0;
	s5 =	sld [smem:$0x3FAC]  }
0x2b: {  	s6 =	sld [smem:$0x3FAD]  }
0x2c: {  	s7 =	sld [smem:$0x3FAE]  }
0x2d: {  	s3 =	simm.s32 $0x108;
	s8 =	sld [smem:$0x3FAF]  }
0x2e: {  	s3 =	simm.s32 @!p0 $0x1082;
	s9 =	sld [smem:$0x3FB0]  }
0x2f: {  	lr =	sadd.s32 s0, s3;
	s0 =	sld [smem:$0x3FA7]  }
0x30: {  	s3 =	sld [smem:$0x3FAA]  }
0x31: {  	[smem:$0x3FB3] =	sst s10  }
0x32: {  	s10 =	sld [smem:$0x3FB1];
	_ =	sdelay $0x3  }
0x33: {  	p0 =	seq.s32 s10, $0x1;
	s10 =	sld [smem:$0x3FB3];
	_ =	sdelay $0x3  }
0x34: {  	[smem:$0x3FB3] =	sst s10  }
0x35: {  	s10 =	sld [smem:$0x3FB2];
	_ =	sdelay $0x3  }
0x36: {  	p1 =	seq.s32 s10, $0x1;
	s10 =	sld [smem:$0x3FB3];
	_ =	sdelay $0x3  }
0x37: {  	[smem:$0x3FB3] =	sst s10  }
0x38: {  	s10 =	sld [smem:$0x3FB4]  }
0x39: {  	_ = 	snop;
	(pc) =	sbr.ind lr, $3  }
0x3a: {  	_ = 	snop  }
0x3b: {  	_ = 	snop  }
0x3c: {  	p2 =	seq.s32 s10, $0x1;
	s10 =	sld [smem:$0x3FB3]  }
0x3d: {  	_ =	shalt  }
0x3e: {  	_ =	shalt  }
0x3f: {  	_ =	shalt  }
0x40: {  	_ =	shalt  }
0x41: {  	_ =	shalt  }
0x42: {  	_ =	shalt  }
0x43: {  	_ =	shalt  }
0x44: {  	_ =	shalt  }
0x45: {  	_ =	shalt  }
0x46: {  	_ =	shalt  }
0x47: {  	_ =	shalt  }
0x48: {  	_ =	shalt  }
0x49: {  	_ =	shalt  }
0x4a: {  	_ =	shalt  }
0x4b: {  	_ =	shalt  }
0x4c: {  	_ =	shalt  }
0x4d: {  	_ =	shalt  }
0x4e: {  	_ =	shalt  }
0x4f: {  	_ =	shalt  }
0x50: {  	_ =	shalt  }
0x51: {  	_ =	shalt  }
0x52: {  	_ =	shalt  }
0x53: {  	_ =	shalt  }
0x54: {  	_ =	shalt  }
0x55: {  	_ =	shalt  }
0x56: {  	_ =	shalt  }
0x57: {  	_ =	shalt  }
0x58: {  	_ =	shalt  }
0x59: {  	_ =	shalt  }
0x5a: {  	_ =	shalt  }
0x5b: {  	_ =	shalt  }
0x5c: {  	_ =	shalt  }
0x5d: {  	_ =	shalt  }
0x5e: {  	_ =	shalt  }
0x5f: {  	_ =	shalt  }
0x60: {  	_ =	shalt  }
0x61: {  	_ =	shalt  }
0x62: {  	_ =	shalt  }
0x63: {  	_ =	shalt  }
0x64: {  	_ =	shalt  }
0x65: {  	_ =	shalt  }
0x66: {  	_ =	shalt  }
0x67: {  	_ =	shalt  }
0x68: {  	_ =	shalt  }
0x69: {  	_ =	shalt  }
0x6a: {  	_ =	shalt  }
0x6b: {  	_ =	shalt  }
0x6c: {  	_ =	shalt  }
0x6d: {  	_ =	shalt  }
0x6e: {  	_ =	shalt  }
0x6f: {  	_ =	shalt  }
0x70: {  	_ =	shalt  }
0x71: {  	_ =	shalt  }
0x72: {  	_ =	shalt  }
0x73: {  	_ =	shalt  }
0x74: {  	_ =	shalt  }
0x75: {  	_ =	shalt  }
0x76: {  	_ =	shalt  }
0x77: {  	_ =	shalt  }
0x78: {  	_ =	shalt  }
0x79: {  	_ =	shalt  }
0x7a: {  	_ =	shalt  }
0x7b: {  	_ =	shalt  }
0x7c: {  	_ =	shalt  }
0x7d: {  	_ =	shalt  }
0x7e: {  	_ =	shalt  }
0x7f: {  	_ =	shalt  }
0x80: {  	_ =	shalt  }
0x81: {  	_ =	shalt  }
0x82: {  	_ =	shalt  }
0x83: {  	_ =	shalt  }
0x84: {  	_ =	shalt  }
0x85: {  	_ =	shalt  }
0x86: {  	_ =	shalt  }
0x87: {  	_ =	shalt  }
.Lfunc_end0:
.L_simem_size_0:
called_computation_lowered:
.L_overlay_start_0:
0x88: {  	s2 =	sld [smem:$0x3FD9]  }
0x89: {  	s3 =	sld [smem:$0x3FFE];
	_ =	sdelay $0x1  }
0x8a: {  	s1 =	srdreg.scid  }
0x8b: {  	s0 =	sand.u32 $0x1, s1  }
0x8c: {  	s16 =	sshll.u32 s0, $0xA;
	s2 =	sadd.s32 s3, s2  }
0x8d: {  	s2 =	sadd.s32 s2, s16  }
0x8e: {  	[smem:$0x3FBF] =	sst s2  }
0x8f: {  	_ = 	snop  }
0x90: {  	(tm) =	ssettm $0x1  }
0x91: {  	s17 =	sld [smem:$0x3FFB];
	_ =	sdelay $0x3  }
0x92: {  	_ =	strace s17  }
0x93: {  	s2 =	sld [smem:$0x3FFC];
	_ =	sdelay $0x3  }
0x94: {  	_ =	strace s2  }
0x95: {  	s2 =	sld [smem:$0x3FFD];
	_ =	sdelay $0x3  }
0x96: {  	_ =	strace s2  }
0x97: {  	_ =	strace $0x8FFFFFFF  }
0x98: {  	s18 =	sld [smem:$0x3FDB];
	_ =	sdelay $0x1  }
0x99: {  	s19 =	simm.s32 $_scs_section_size  }
0x9a: {  	s4 =	simm.s32 $_size__tile_overlayer_lowered;
	s5 =	simm.s32 $_tile_overlayer_lowered  }
0x9b: {  	s22 =	simm.s32 $0x1BFF;
	s21 =	sshll.u32 s5, $0x1;
	s2 =	sadd.s32 s19, s18  }
0x9c: {  	s6 =	simm.s32 $0x0;
	s20 =	sshll.u32 s4, $0x1;
	s4 =	sadd.s32 s21, s2  }
0x9d: {  	[timem:s6], [sflag:s22] =	dma.local [hbm:s4], s20  }
0x9e: {  	_ =	swait.ge [sflag:s22], s20  }
0x9f: {  	s3 =	ssub.s32 $0x0, s20;
	[sflag:s22] =	ssyncset.done $0x0  }
0xa0: {  	[sflag:s22] =	ssyncadd.s32 s3;
	_ =	sdelay $0x1  }
0xa1: {  	s23 =	simm.s32 $0x1B8B  }
0xa2: {  	_ =	swait.ge [sflag:s23], $0x1  }
0xa3: {  	[sflag:s23] =	ssyncset.done $0x0  }
0xa4: {  	s25 =	simm.s32 $0x1B8E;
	s24 =	sld [smem:$0x3FFE];
	[sflag:s23] =	ssyncadd.s32 $0xFFFFFFFF  }
0xa5: {  	s26 =	simm.s32 $execute0_lowered;
	[smem:$0x3FD2] =	sst s25  }
0xa6: {  	s4 =	sshll.u32 s26, $0x1;
	_ =	strace $0x80000046;
	[dreg:$0x1] =	wrdreg $0xFFFFFFFF  }
0xa7: {  	s28 =	simm.s32 $_size_execute0_lowered;
	s2 =	sadd.s32 s2, s4;
	[dreg:$0x0] =	wrdreg $0x0  }
0xa8: {  	s4 =	sshll.u32 s28, $0x1;
	[dreg:$0x2] =	wrdreg s2  }
0xa9: {  	[dreg:$0x3] =	wrdreg s4  }
0xaa: {  	[dreg:$0x4] =	wrdreg $0xC0  }
0xab: {  	_ =	task [dreg:s6], $0x5FFFF  }
0xac: {  	[dreg:$0x1] =	wrdreg $0xFFFFFFFF  }
0xad: {  	[dreg:$0x0] =	wrdreg $0x60  }
0xae: {  	[dreg:$0x2] =	wrdreg s24  }
0xaf: {  	[dreg:$0x3] =	wrdreg $0x9  }
0xb0: {  	_ =	task.clear_ibuf [dreg:s6], $0x4FFFF;
	_ =	strace $0x90000046  }
0xb1: {  	s29 =	simm.s32 $0x9;
	_ =	strace $0x80000048  }
0xb2: {  	_ =	swait.ge [sflag:s29], $0x1  }
0xb3: {  	[sflag:s29] =	ssyncadd.s32 $0xFFFFFFFF  }
0xb4: {  	_ =	strace $0x90000048  }
0xb5: {  	_ =	sfence  }
0xb6: {  	s30 =	sld [smem:$0x0];
	_ =	sdelay $0x2  }
0xb7: {  	s31 =	sshll.u32 s1, $0xD;
	s1 =	sshrl.u32 s1, $0x2  }
0xb8: {  	s3 =	sand.u32 $0x4000, s31;
	s1 =	sadd.s32 s1, s30  }
0xb9: {  	s0 =	sor.u32 s3, s0;
	s1 =	sshll.u32 s1, $0x11  }
0xba: {  	s0 =	sor.u32 s1, s0  }
0xbb: {  	s0 =	sadd.s32 $0x8F2B, s0  }
0xbc: {  	[sflag:s0] =	ssyncadd.remote.s32 $0x1  }
0xbd: {  	_ =	sfence.sel $0xFFFF  }
0xbe: {  	[dreg:$0x0] =	wrdreg $0xFFFFFFFF;
	(pc) =	sbr.abs _section_cstart, $3  }
0xbf: {  	[dreg:$0x1] =	wrdreg $0xFFFFFFFF  }
0xc0: {  	_ =	task.clear_ibuf [dreg:s6], $0x2FFFF;
	_ =	strace $0x9FFFFFFF  }
0xc1: {  	(tm) =	ssettm $0x7FFFFFFF  }
tec
execute0_lowered:
.L_overlay_start_1:
0x0: {  	(tag) =	ssettag $0x1  }
0x1: {  	s1 =	srdreg.scid  }
0x2: {  	s0 =	stileid.u32;
	s4 =	rddreg [dreg:$0x0]  }
0x3: {  	s2 =	simm.s32 $0x0;
	s13 =	simm.s32 $0x1;
	s14 =	simm.s32 $0x5C00  }
0x4: {  	s15 =	simm.s32 $0x2;
	s16 =	simm.s32 $0x3;
	s11 =	smul.u32 $0x1C0000, s0  }
0x5: {  	s17 =	simm.s32 $0x0;
	s7 =	sand.u32 $0x1, s1;
	s26 =	smul.u32 $0x38000, s0  }
0x6: {  	s3 =	sshll.u32 s0, $0x1;
	s1 =	rddreg [dreg:$0x1];
	s22 =	smul.u32 $0xE0000, s7  }
0x7: {  	[smem:$0x7FF] =	sst s2;
	s6 =	sor.u32 s7, s3;
	s28 =	smul.u32 $0x1C000, s7  }
0x8: {  	s12 =	sadd.s32 $0x3400, s4;
	_ =	strace $0x80000047;
	s5 =	smul.u32 $0x1C00, s6  }
0x9: {  	s3 =	sadd.s32 $0x1E8F000, s4;
	s8 =	ssub.s32 $0x2, s7;
	s9 =	smul.u32 $0xE0000, s6  }
0xa: {  	s10 =	sshrl.u32 s8, $0x1;
	s23 =	smul.u32 $0x1C000, s6;
	s31 =	sadd.s32 s26, s12  }
0xb: {  	s8 =	ssub.s32 s8, s10;
	s25 =	sadd.s32 s22, s11;
	s10 =	simm.s32 $0x4  }
0xc: {  	s11 =	simm.s32 $0x80;
	s5 =	sshrl.u32 s5, $0x3;
	s24 =	sshrl.u32 s9, $0x3  }
0xd: {  	s9 =	sor.u32 $0x8000, s25;
	s29 =	sadd.s32 s23, s12;
	s5 =	sadd.s32 s5, s4  }
0xe: {  	s6 =	sadd.s32 s12, s24;
	s30 =	sshrl.u32 s9, $0x3;
	s7 =	sadd.s32 $0x800, s29  }
0xf: {  	s9 =	sadd.s32 s28, s31;
	s4 =	sadd.s32 $0x1E88000, s5;
	s5 =	smax.u32 s8, $0x1  }
0x10: {  	s8 =	sadd.s32 s30, s12;
	s9 =	sadd.s32 $0x1800, s9;
	s12 =	simm.s32 $0x1C00  }
.LBB2_1:
0x11: {  	[tilespmem:s2], [sflag:$0x4] =	stream.linear.gather [hbm4b:s4+s2], $0x1C00, $0x38;
	[tilespmem:$0x9C00] =	vst v63  }
0x12: {  	_ =	swait.ge [sflag:s10], $0x1C00  }
0x13: {  	[sflag:s10] =	ssyncset.done $0x0  }
0x14: {  	[sflag:s10] =	ssyncadd.s32 $0xFFFFE400  }
0x15: {  	[tilespmem:s12], [sflag:$0x1] =	stream.indirect.gather [hbm4b:s3+s11], $0x80, s2, s11, $0xb8;
	[tilespmem:$0x9C00] =	vst v63  }
0x16: {  	_ =	swait.ge [sflag:s13], $0x4000  }
0x17: {  	[sflag:s13] =	ssyncset.done $0x0  }
0x18: {  	[sflag:s13] =	ssyncadd.s32 $0xFFFFC000  }
0x19: {  	[hbm4b:s6+s2] =	stream.linear.scatter [tilespmem:s12], [sflag:$0x2], $0x4000, $0x38;
	[tilespmem:$0x9C00] =	vst v63  }
0x1a: {  	_ = 	snop  }
0x1b: {  	[tilespmem:s14], [sflag:$0x1] =	stream.indirect.gather [hbm4b:s3+s11], $0x80, s11, s11, $0xb8;
	[tilespmem:$0x9C00] =	vst v63  }
0x1c: {  	_ =	swait.ge [sflag:s13], $0x4000  }
0x1d: {  	[sflag:s13] =	ssyncset.done $0x0  }
0x1e: {  	[sflag:s13] =	ssyncadd.s32 $0xFFFFC000  }
0x1f: {  	[hbm4b:s7+s2] =	stream.linear.scatter [tilespmem:s14], [sflag:$0x3], $0x4000, $0x38;
	[tilespmem:$0x9C00] =	vst v63  }
0x20: {  	_ =	swait.ge [sflag:s15], $0x4000  }
0x21: {  	[sflag:s15] =	ssyncset.done $0x0  }
0x22: {  	s18 =	simm.s32 $0x100;
	[sflag:s15] =	ssyncadd.s32 $0xFFFFC000  }
0x23: {  	[tilespmem:s12], [sflag:$0x1] =	stream.indirect.gather [hbm4b:s3+s11], $0x80, s18, s11, $0xb8;
	[tilespmem:$0x9C00] =	vst v63  }
0x24: {  	_ =	swait.ge [sflag:s13], $0x4000  }
0x25: {  	[sflag:s13] =	ssyncset.done $0x0  }
0x26: {  	s30 =	sadd.s32 $0x0, s8;
	[sflag:s13] =	ssyncadd.s32 $0xFFFFC000  }
0x27: {  	[hbm4b:s30+s2] =	stream.linear.scatter [tilespmem:s12], [sflag:$0x2], $0x4000, $0x38;
	[tilespmem:$0x9C00] =	vst v63  }
0x28: {  	_ =	swait.ge [sflag:s16], $0x4000  }
0x29: {  	[sflag:s16] =	ssyncset.done $0x0  }
0x2a: {  	s31 =	simm.s32 $0x180;
	[sflag:s16] =	ssyncadd.s32 $0xFFFFC000  }
0x2b: {  	[tilespmem:s14], [sflag:$0x1] =	stream.indirect.gather [hbm4b:s3+s11], $0x80, s31, s11, $0xb8;
	[tilespmem:$0x9C00] =	vst v63  }
0x2c: {  	_ =	swait.ge [sflag:s13], $0x4000  }
0x2d: {  	s20 =	sadd.s32 $0x0, s9;
	[sflag:s13] =	ssyncset.done $0x0  }
0x2e: {  	s19 =	simm.s32 $0x200;
	s18 =	simm.s32 $0x1000;
	[sflag:s13] =	ssyncadd.s32 $0xFFFFC000  }
.LBB2_2:
0x2f: {  	[hbm4b:s20+s2] =	stream.linear.scatter [tilespmem:s14], [sflag:$0x3], $0x4000, $0x38;
	[tilespmem:$0x9C00] =	vst v63  }
0x30: {  	s20 =	smov.u32 s18  }
0x31: {  	p0 =	sne.s32 s18, $0x1A000;
	s18 =	sadd.s32 $0x1000, s18;
	_ =	swait.ge [sflag:s15], $0x4000  }
0x32: {  	[sflag:s15] =	ssyncset.done $0x0  }
0x33: {  	[sflag:s15] =	ssyncadd.s32 $0xFFFFC000  }
0x34: {  	[tilespmem:s12], [sflag:$0x1] =	stream.indirect.gather [hbm4b:s3+s11], $0x80, s19, s11, $0xb8;
	[tilespmem:$0x9C00] =	vst v63  }
0x35: {  	_ =	swait.ge [sflag:s13], $0x4000  }
0x36: {  	[sflag:s13] =	ssyncset.done $0x0  }
0x37: {  	s21 =	sadd.s32 s20, s8;
	[sflag:s13] =	ssyncadd.s32 $0xFFFFC000  }
0x38: {  	[hbm4b:s21+s2] =	stream.linear.scatter [tilespmem:s12], [sflag:$0x2], $0x4000, $0x38;
	[tilespmem:$0x9C00] =	vst v63  }
0x39: {  	_ =	swait.ge [sflag:s16], $0x4000  }
0x3a: {  	[sflag:s16] =	ssyncset.done $0x0  }
.Ltmp0:
0x3b: {  	s21 =	sadd.s32 $0x80, s19;
	[sflag:s16] =	ssyncadd.s32 $0xFFFFC000;
	(pc) =	sbr.rel @p0 .LBB2_2-.Ltmp0, $4  }
0x3c: {  	[tilespmem:s14], [sflag:$0x1] =	stream.indirect.gather [hbm4b:s3+s11], $0x80, s21, s11, $0xb8;
	[tilespmem:$0x9C00] =	vst v63  }
0x3d: {  	_ =	swait.ge [sflag:s13], $0x4000  }
0x3e: {  	[sflag:s13] =	ssyncset.done $0x0  }
0x3f: {  	s20 =	sadd.s32 s20, s9;
	s19 =	sadd.s32 $0x100, s19;
	[sflag:s13] =	ssyncadd.s32 $0xFFFFC000  }
0x40: {  	[hbm4b:s20+s2] =	stream.linear.scatter [tilespmem:s14], [sflag:$0x3], $0x4000, $0x38;
	[tilespmem:$0x9C00] =	vst v63  }
0x41: {  	s17 =	sadd.s32 $0x1, s17  }
0x42: {  	_ =	swait.ge [sflag:s15], $0x4000;
	p0 =	sne.s32 s17, s5  }
.Ltmp1:
0x43: {  	[sflag:s15] =	ssyncset.done $0x0;
	(pc) =	sbr.rel @p0 .LBB2_1-.Ltmp1, $4  }
0x44: {  	[sflag:s15] =	ssyncadd.s32 $0xFFFFC000  }
0x45: {  	_ =	swait.ge [sflag:s16], $0x4000  }
0x46: {  	[sflag:s16] =	ssyncset.done $0x0  }
0x47: {  	[sflag:s16] =	ssyncadd.s32 $0xFFFFC000  }
0x48: {  	_ =	sfence.sel $0x180000  }
0x49: {  	[bflag:$0x0] =	sbarrier.arrive $0xFFFF  }
0x4a: {  	p0 =	sne.s32 s0, $0x0;
	_ =	strace $0x90000047  }
0x4b: {  	s0 =	sadd.s32 @!p0 $0x100000, s1;
	[bflag:$0x2] =	sbarrier.arrive $0xFFFF  }
0x4c: {  	[sflag:s0] =	ssyncadd.tile.s32 @!p0 $0x1;
	_ =	shalt  }
.Lfunc_end2:
_tile_overlayer_lowered:
.L_overlay_start_2:
0x4d: {  	(tag) =	ssettag $0x2  }
0x4e: {  	s0 =	rddreg [dreg:$0x0];
	s2 =	stileid.u32  }
0x4f: {  	s1 =	rddreg [dreg:$0x1];
	p0 =	sne.s32 s2, $0x0  }
0x50: {  	s3 =	rddreg [dreg:$0x2];
	[bflag:$0x3] =	sbarrier.arrive $0xFFFF;
	s2 =	simm.s32 @!p0 $0x1C04  }
0x51: {  	[timem:s3], [sflag:s2] =	dma.local @!p0 [hbm:s0], s1  }
0x52: {  	s0 =	simm.s32 @!p0 $0x4  }
0x53: {  	_ =	swait.ge @!p0 [sflag:s0], s1  }
0x54: {  	s1 =	ssub.s32 @!p0 $0x0, s1;
	[sflag:s0] =	ssyncset.done @!p0 $0x0  }
0x55: {  	[sflag:s0] =	ssyncadd.s32 @!p0 s1  }
0x56: {  	[bflag:$0x3] =	sbarrier.arrive $0xFFFF  }
0x57: {  	_ =	shalt  }

</sc_bundles>
